<compile_context>
chip_gen: v7x
topology: tpu7x:2x2x1
jax: 0.10.2.dev20260603
libtpu: 0.0.44.dev20260713+nightly
codegen_flags: <defaults>
</compile_context>

<pallas_src>
import jax
import jax.numpy as jnp
from jax import lax
from jax.experimental import pallas as pl
from jax.experimental.pallas import tpu as pltpu
from jax.experimental.pallas import tpu_sc as plsc

NC = 2
NS = 16
NW = NC * NS

B = 4096
S = 200
D_MODEL = 64
ROWS_PER_W = B // NW
CB = 4
NBUF = 2
N_STEPS = ROWS_PER_W // CB
assert N_STEPS % NBUF == 0
SPLITS = [(0, 128), (128, S - 128)]


def _body(idx_hbm, table_hbm, out_hbm, i0, i1, r0, r1, g0, g1, s0, s1):
    wid = lax.axis_index("s") * NC + lax.axis_index("c")
    base = wid * ROWS_PER_W
    idx_v = [i0, i1]
    rows = [r0, r1]
    gsem = [g0, g1]
    ssem = [s0, s1]

    def outer(t, carry):
        gathers = []
        for b in range(NBUF):
            row = base + (t * NBUF + b) * CB

            @pl.when(t > 0)
            def _drain_store(b=b, row=row):
                pltpu.make_async_copy(rows[b], out_hbm.at[pl.ds(row, CB)],
                                      ssem[b]).wait()

            pltpu.sync_copy(idx_hbm.at[pl.ds(row, CB)], idx_v[b])
            gathers.append([
                pltpu.async_copy(table_hbm.at[idx_v[b].at[r, pl.ds(o, w)]],
                                 rows[b].at[r, pl.ds(o, w)], gsem[b])
                for r in range(CB)
                for (o, w) in SPLITS
            ])
        for b in range(NBUF):
            row = base + (t * NBUF + b) * CB
            for c in gathers[b]:
                c.wait()
            pltpu.async_copy(rows[b], out_hbm.at[pl.ds(row, CB)], ssem[b])
        return carry

    lax.fori_loop(0, N_STEPS // NBUF, outer, 0)

    for b in range(NBUF):
        row = base + (N_STEPS - NBUF + b) * CB
        pltpu.make_async_copy(rows[b], out_hbm.at[pl.ds(row, CB)],
                              ssem[b]).wait()


_mesh = plsc.VectorSubcoreMesh(
    core_axis_name="c", subcore_axis_name="s", num_cores=NC, num_subcores=NS
)

_embed = pl.kernel(
    _body,
    out_type=jax.ShapeDtypeStruct((B, S, D_MODEL), jnp.float32),
    mesh=_mesh,
    scratch_types=[
        pltpu.VMEM((CB, S), jnp.int32),
        pltpu.VMEM((CB, S), jnp.int32),
        pltpu.VMEM((CB, S, D_MODEL), jnp.float32),
        pltpu.VMEM((CB, S, D_MODEL), jnp.float32),
        pltpu.SemaphoreType.DMA,
        pltpu.SemaphoreType.DMA,
        pltpu.SemaphoreType.DMA,
        pltpu.SemaphoreType.DMA,
    ],
    compiler_params=pltpu.CompilerParams(use_tc_tiling_on_sc=False),
)


def kernel(word_indices, vocabulary):
    return _embed(word_indices.astype(jnp.int32), vocabulary)

# --- scband reference (transcript-rebuilt; emitter-appended) ---
"""Pipeline reference for scband-word-embedding-75290776699347 (READ-ONLY COPY).

The authoritative reference and input builder live on the scoring server;
editing this copy changes nothing except your own understanding.
"""

import jax, jax.numpy as jnp
import numpy as np

VOCAB_SIZE = 1000000
D_MODEL = 64

def setup_inputs(seed: int = 0) -> dict:
    key = jax.random.key(seed)
    k_idx, k_tab = jax.random.split(key)
    word_indices = jax.random.randint(k_idx, (4096, 200), 0, VOCAB_SIZE, dtype=jnp.int64 if jax.config.jax_enable_x64 else jnp.int32)
    vocabulary = jax.random.normal(k_tab, (VOCAB_SIZE, D_MODEL), dtype=jnp.float32)
    return {"word_indices": word_indices, "vocabulary": vocabulary}

def reference(word_indices, vocabulary):
    # Faithful to: return self.vocabulary[word_indices]
    return jnp.take(vocabulary, word_indices, axis=0)

if __name__ == "__main__":
    import jax
    _d = setup_inputs()
    print(jax.jit(kernel)(*tuple(_d.values())))

</pallas_src>

<mosaic_0001>
#map = affine_map<(d0, d1) -> (0, 0)>
#map1 = affine_map<(d0, d1) -> (0, 0, 0)>
module attributes {stable_mosaic.version = 14 : i64} {
  func.func @_body(%arg0: i32, %arg1: i32, %arg2: memref<4096x200xi32, #tpu.memory_space<hbm>>, %arg3: memref<1000000x64xf32, #tpu.memory_space<hbm>>, %arg4: memref<4096x200x64xf32, #tpu.memory_space<hbm>>, %arg5: memref<4x200xi32, #tpu.memory_space<vmem>>, %arg6: memref<4x200xi32, #tpu.memory_space<vmem>>, %arg7: memref<4x200x64xf32, #tpu.memory_space<vmem>>, %arg8: memref<4x200x64xf32, #tpu.memory_space<vmem>>, %arg9: memref<!tpu.dma_semaphore, #tpu.memory_space<semaphore_mem>>, %arg10: memref<!tpu.dma_semaphore, #tpu.memory_space<semaphore_mem>>, %arg11: memref<!tpu.dma_semaphore, #tpu.memory_space<semaphore_mem>>, %arg12: memref<!tpu.dma_semaphore, #tpu.memory_space<semaphore_mem>>) attributes {dimension_semantics = [#tpu.dimension_semantics<core_parallel>, #tpu.dimension_semantics<subcore_parallel>], iteration_bounds = array<i64: 2, 16>, scalar_prefetch = 0 : i64, scratch_operands = 8 : i64, tpu.core_type = #tpu.core_type<sc_vector_subcore>, window_params = [{transform_indices = #map}, {transform_indices = #map}, {transform_indices = #map1}]} {
    %mul3A = arith.constant 2 : i32
    %mul3A_0 = arith.muli %arg1, %mul3A : i32
    %add3A = arith.addi %mul3A_0, %arg0 : i32
    %mul3A_1 = arith.constant 128 : i32
    %mul3A_2 = arith.muli %add3A, %mul3A_1 : i32
    %scan3A = arith.constant 0 : i32
    %scan3A_3 = arith.constant 0 : i32
    %scan3A_4 = arith.constant 16 : i32
    %scan3A_5 = arith.addi %scan3A_3, %scan3A_4 : i32
    %scan3A_6 = arith.constant 1 : i32
    scf.for %scan3A_23 = %scan3A_3 to %scan3A_5 step %scan3A_6  : i32 {
      %mul3A_24 = arith.constant 2 : i32
      %mul3A_25 = arith.muli %scan3A_23, %mul3A_24 : i32
      %add3A_26 = arith.constant 0 : i32
      %add3A_27 = arith.addi %mul3A_25, %add3A_26 : i32
      %mul3A_28 = arith.constant 4 : i32
      %mul3A_29 = arith.muli %add3A_27, %mul3A_28 : i32
      %add3A_30 = arith.addi %mul3A_2, %mul3A_29 : i32
      %gt3A = arith.constant 0 : i32
      %gt3A_31 = arith.cmpi sgt, %scan3A_23, %gt3A : i32
      %convert_element_type3A = arith.extui %gt3A_31 : i1 to i32
      %cond3A = arith.constant 0 : i32
      %cond3A_32 = arith.cmpi ne, %convert_element_type3A, %cond3A : i32
      scf.if %cond3A_32 {
        %dma_wait3A_454 = arith.constant 0 : i32
        %dma_wait3A_455 = arith.constant 0 : i32
        %dma_wait3A_456 = tpu.memref_slice %arg4[%add3A_30, %dma_wait3A_454, %dma_wait3A_455] : memref<4096x200x64xf32, #tpu.memory_space<hbm>> -> memref<4x200x64xf32, #tpu.memory_space<hbm>>
        %dma_wait3A_457 = arith.constant 0 : i32
        %dma_wait3A_458 = arith.constant 0 : i32
        %dma_wait3A_459 = tpu.memref_slice %arg4[%add3A_30, %dma_wait3A_457, %dma_wait3A_458] : memref<4096x200x64xf32, #tpu.memory_space<hbm>> -> memref<4x200x64xf32, #tpu.memory_space<hbm>>
        tpu.wait_dma2 semaphore(%arg11 : memref<!tpu.dma_semaphore, #tpu.memory_space<semaphore_mem>>) src(%arg7 : memref<4x200x64xf32, #tpu.memory_space<vmem>>) dst(%dma_wait3A_459 : memref<4x200x64xf32, #tpu.memory_space<hbm>>)
      } else {
      }
      "tpu.region"() ({
        %run_scoped3A = tpu.sem_alloc : memref<!tpu.dma_semaphore, #tpu.memory_space<semaphore_mem>>
        %dma_start3A_454 = arith.constant 0 : i32
        %dma_start3A_455 = tpu.memref_slice %arg2[%add3A_30, %dma_start3A_454] : memref<4096x200xi32, #tpu.memory_space<hbm>> -> memref<4x200xi32, #tpu.memory_space<hbm>>
        %dma_start3A_456 = arith.constant 0 : i32
        %dma_start3A_457 = tpu.memref_slice %arg2[%add3A_30, %dma_start3A_456] : memref<4096x200xi32, #tpu.memory_space<hbm>> -> memref<4x200xi32, #tpu.memory_space<hbm>>
        tpu.enqueue_dma source(%dma_start3A_457 : memref<4x200xi32, #tpu.memory_space<hbm>>) target(%arg5 : memref<4x200xi32, #tpu.memory_space<vmem>>) target_semaphore(%run_scoped3A : memref<!tpu.dma_semaphore, #tpu.memory_space<semaphore_mem>>)
        %dma_wait3A_458 = arith.constant 0 : i32
        %dma_wait3A_459 = tpu.memref_slice %arg2[%add3A_30, %dma_wait3A_458] : memref<4096x200xi32, #tpu.memory_space<hbm>> -> memref<4x200xi32, #tpu.memory_space<hbm>>
        %dma_wait3A_460 = arith.constant 0 : i32
        %dma_wait3A_461 = tpu.memref_slice %arg2[%add3A_30, %dma_wait3A_460] : memref<4096x200xi32, #tpu.memory_space<hbm>> -> memref<4x200xi32, #tpu.memory_space<hbm>>
        tpu.wait_dma2 semaphore(%run_scoped3A : memref<!tpu.dma_semaphore, #tpu.memory_space<semaphore_mem>>) src(%dma_wait3A_461 : memref<4x200xi32, #tpu.memory_space<hbm>>) dst(%arg5 : memref<4x200xi32, #tpu.memory_space<vmem>>)
        tpu.yield
      }) : () -> ()
      %dma_start3A = arith.constant 0 : i32
      %dma_start3A_33 = arith.constant 0 : i32
      %dma_start3A_34 = arith.constant 0 : i32
      %dma_start3A_35 = arith.constant 0 : i32
      %dma_start3A_36 = tpu.memref_slice %arg7[%dma_start3A_33, %dma_start3A_34, %dma_start3A_35] : memref<4x200x64xf32, #tpu.memory_space<vmem>> -> memref<1x128x64xf32, #tpu.memory_space<vmem>>
      %dma_start3A_37 = tpu.memref_squeeze %dma_start3A_36 : memref<1x128x64xf32, #tpu.memory_space<vmem>> -> memref<128x64xf32, #tpu.memory_space<vmem>>
      %dma_start3A_38 = arith.constant 0 : i32
      %dma_start3A_39 = tpu.memref_slice %arg5[%dma_start3A, %dma_start3A_38] : memref<4x200xi32, #tpu.memory_space<vmem>> -> memref<1x128xi32, #tpu.memory_space<vmem>>
      %dma_start3A_40 = tpu.memref_squeeze %dma_start3A_39 : memref<1x128xi32, #tpu.memory_space<vmem>> -> memref<128xi32, #tpu.memory_space<vmem>>
      %dma_start3A_41 = arith.constant 0 : i32
      %dma_start3A_42 = arith.constant 0 : i32
      %dma_start3A_43 = tpu.memref_slice %arg3[%dma_start3A_41, %dma_start3A_42] : memref<1000000x64xf32, #tpu.memory_space<hbm>> -> memref<1000000x64xf32, #tpu.memory_space<hbm>>
      tpu.enqueue_indirect_dma source(%dma_start3A_43 : memref<1000000x64xf32, #tpu.memory_space<hbm>>) target(%dma_start3A_37 : memref<128x64xf32, #tpu.memory_space<vmem>>) offsets(%dma_start3A_40 : memref<128xi32, #tpu.memory_space<vmem>>) semaphore(%arg9 : memref<!tpu.dma_semaphore, #tpu.memory_space<semaphore_mem>>)
      %dma_start3A_44 = arith.constant 0 : i32
      %dma_start3A_45 = arith.constant 0 : i32
      %dma_start3A_46 = arith.constant 128 : i32
      %dma_start3A_47 = arith.constant 0 : i32
      %dma_start3A_48 = tpu.memref_slice %arg7[%dma_start3A_45, %dma_start3A_46, %dma_start3A_47] : memref<4x200x64xf32, #tpu.memory_space<vmem>> -> memref<1x72x64xf32, #tpu.memory_space<vmem>>
      %dma_start3A_49 = tpu.memref_squeeze %dma_start3A_48 : memref<1x72x64xf32, #tpu.memory_space<vmem>> -> memref<72x64xf32, #tpu.memory_space<vmem>>
      %dma_start3A_50 = arith.constant 128 : i32
      %dma_start3A_51 = tpu.memref_slice %arg5[%dma_start3A_44, %dma_start3A_50] : memref<4x200xi32, #tpu.memory_space<vmem>> -> memref<1x72xi32, #tpu.memory_space<vmem>>
      %dma_start3A_52 = tpu.memref_squeeze %dma_start3A_51 : memref<1x72xi32, #tpu.memory_space<vmem>> -> memref<72xi32, #tpu.memory_space<vmem>>
      %dma_start3A_53 = arith.constant 0 : i32
      %dma_start3A_54 = arith.constant 0 : i32
      %dma_start3A_55 = tpu.memref_slice %arg3[%dma_start3A_53, %dma_start3A_54] : memref<1000000x64xf32, #tpu.memory_space<hbm>> -> memref<1000000x64xf32, #tpu.memory_space<hbm>>
      tpu.enqueue_indirect_dma source(%dma_start3A_55 : memref<1000000x64xf32, #tpu.memory_space<hbm>>) target(%dma_start3A_49 : memref<72x64xf32, #tpu.memory_space<vmem>>) offsets(%dma_start3A_52 : memref<72xi32, #tpu.memory_space<vmem>>) semaphore(%arg9 : memref<!tpu.dma_semaphore, #tpu.memory_space<semaphore_mem>>)
      %dma_start3A_56 = arith.constant 1 : i32
      %dma_start3A_57 = arith.constant 1 : i32
      %dma_start3A_58 = arith.constant 0 : i32
      %dma_start3A_59 = arith.constant 0 : i32
      %dma_start3A_60 = tpu.memref_slice %arg7[%dma_start3A_57, %dma_start3A_58, %dma_start3A_59] : memref<4x200x64xf32, #tpu.memory_space<vmem>> -> memref<1x128x64xf32, #tpu.memory_space<vmem>>
      %dma_start3A_61 = tpu.memref_squeeze %dma_start3A_60 : memref<1x128x64xf32, #tpu.memory_space<vmem>> -> memref<128x64xf32, #tpu.memory_space<vmem>>
      %dma_start3A_62 = arith.constant 0 : i32
      %dma_start3A_63 = tpu.memref_slice %arg5[%dma_start3A_56, %dma_start3A_62] : memref<4x200xi32, #tpu.memory_space<vmem>> -> memref<1x128xi32, #tpu.memory_space<vmem>>
      %dma_start3A_64 = tpu.memref_squeeze %dma_start3A_63 : memref<1x128xi32, #tpu.memory_space<vmem>> -> memref<128xi32, #tpu.memory_space<vmem>>
      %dma_start3A_65 = arith.constant 0 : i32
      %dma_start3A_66 = arith.constant 0 : i32
      %dma_start3A_67 = tpu.memref_slice %arg3[%dma_start3A_65, %dma_start3A_66] : memref<1000000x64xf32, #tpu.memory_space<hbm>> -> memref<1000000x64xf32, #tpu.memory_space<hbm>>
      tpu.enqueue_indirect_dma source(%dma_start3A_67 : memref<1000000x64xf32, #tpu.memory_space<hbm>>) target(%dma_start3A_61 : memref<128x64xf32, #tpu.memory_space<vmem>>) offsets(%dma_start3A_64 : memref<128xi32, #tpu.memory_space<vmem>>) semaphore(%arg9 : memref<!tpu.dma_semaphore, #tpu.memory_space<semaphore_mem>>)
      %dma_start3A_68 = arith.constant 1 : i32
      %dma_start3A_69 = arith.constant 1 : i32
      %dma_start3A_70 = arith.constant 128 : i32
      %dma_start3A_71 = arith.constant 0 : i32
      %dma_start3A_72 = tpu.memref_slice %arg7[%dma_start3A_69, %dma_start3A_70, %dma_start3A_71] : memref<4x200x64xf32, #tpu.memory_space<vmem>> -> memref<1x72x64xf32, #tpu.memory_space<vmem>>
      %dma_start3A_73 = tpu.memref_squeeze %dma_start3A_72 : memref<1x72x64xf32, #tpu.memory_space<vmem>> -> memref<72x64xf32, #tpu.memory_space<vmem>>
      %dma_start3A_74 = arith.constant 128 : i32
      %dma_start3A_75 = tpu.memref_slice %arg5[%dma_start3A_68, %dma_start3A_74] : memref<4x200xi32, #tpu.memory_space<vmem>> -> memref<1x72xi32, #tpu.memory_space<vmem>>
      %dma_start3A_76 = tpu.memref_squeeze %dma_start3A_75 : memref<1x72xi32, #tpu.memory_space<vmem>> -> memref<72xi32, #tpu.memory_space<vmem>>
      %dma_start3A_77 = arith.constant 0 : i32
      %dma_start3A_78 = arith.constant 0 : i32
      %dma_start3A_79 = tpu.memref_slice %arg3[%dma_start3A_77, %dma_start3A_78] : memref<1000000x64xf32, #tpu.memory_space<hbm>> -> memref<1000000x64xf32, #tpu.memory_space<hbm>>
      tpu.enqueue_indirect_dma source(%dma_start3A_79 : memref<1000000x64xf32, #tpu.memory_space<hbm>>) target(%dma_start3A_73 : memref<72x64xf32, #tpu.memory_space<vmem>>) offsets(%dma_start3A_76 : memref<72xi32, #tpu.memory_space<vmem>>) semaphore(%arg9 : memref<!tpu.dma_semaphore, #tpu.memory_space<semaphore_mem>>)
      %dma_start3A_80 = arith.constant 2 : i32
      %dma_start3A_81 = arith.constant 2 : i32
      %dma_start3A_82 = arith.constant 0 : i32
      %dma_start3A_83 = arith.constant 0 : i32
      %dma_start3A_84 = tpu.memref_slice %arg7[%dma_start3A_81, %dma_start3A_82, %dma_start3A_83] : memref<4x200x64xf32, #tpu.memory_space<vmem>> -> memref<1x128x64xf32, #tpu.memory_space<vmem>>
      %dma_start3A_85 = tpu.memref_squeeze %dma_start3A_84 : memref<1x128x64xf32, #tpu.memory_space<vmem>> -> memref<128x64xf32, #tpu.memory_space<vmem>>
      %dma_start3A_86 = arith.constant 0 : i32
      %dma_start3A_87 = tpu.memref_slice %arg5[%dma_start3A_80, %dma_start3A_86] : memref<4x200xi32, #tpu.memory_space<vmem>> -> memref<1x128xi32, #tpu.memory_space<vmem>>
      %dma_start3A_88 = tpu.memref_squeeze %dma_start3A_87 : memref<1x128xi32, #tpu.memory_space<vmem>> -> memref<128xi32, #tpu.memory_space<vmem>>
      %dma_start3A_89 = arith.constant 0 : i32
      %dma_start3A_90 = arith.constant 0 : i32
      %dma_start3A_91 = tpu.memref_slice %arg3[%dma_start3A_89, %dma_start3A_90] : memref<1000000x64xf32, #tpu.memory_space<hbm>> -> memref<1000000x64xf32, #tpu.memory_space<hbm>>
      tpu.enqueue_indirect_dma source(%dma_start3A_91 : memref<1000000x64xf32, #tpu.memory_space<hbm>>) target(%dma_start3A_85 : memref<128x64xf32, #tpu.memory_space<vmem>>) offsets(%dma_start3A_88 : memref<128xi32, #tpu.memory_space<vmem>>) semaphore(%arg9 : memref<!tpu.dma_semaphore, #tpu.memory_space<semaphore_mem>>)
      %dma_start3A_92 = arith.constant 2 : i32
      %dma_start3A_93 = arith.constant 2 : i32
      %dma_start3A_94 = arith.constant 128 : i32
      %dma_start3A_95 = arith.constant 0 : i32
      %dma_start3A_96 = tpu.memref_slice %arg7[%dma_start3A_93, %dma_start3A_94, %dma_start3A_95] : memref<4x200x64xf32, #tpu.memory_space<vmem>> -> memref<1x72x64xf32, #tpu.memory_space<vmem>>
      %dma_start3A_97 = tpu.memref_squeeze %dma_start3A_96 : memref<1x72x64xf32, #tpu.memory_space<vmem>> -> memref<72x64xf32, #tpu.memory_space<vmem>>
      %dma_start3A_98 = arith.constant 128 : i32
      %dma_start3A_99 = tpu.memref_slice %arg5[%dma_start3A_92, %dma_start3A_98] : memref<4x200xi32, #tpu.memory_space<vmem>> -> memref<1x72xi32, #tpu.memory_space<vmem>>
      %dma_start3A_100 = tpu.memref_squeeze %dma_start3A_99 : memref<1x72xi32, #tpu.memory_space<vmem>> -> memref<72xi32, #tpu.memory_space<vmem>>
      %dma_start3A_101 = arith.constant 0 : i32
      %dma_start3A_102 = arith.constant 0 : i32
      %dma_start3A_103 = tpu.memref_slice %arg3[%dma_start3A_101, %dma_start3A_102] : memref<1000000x64xf32, #tpu.memory_space<hbm>> -> memref<1000000x64xf32, #tpu.memory_space<hbm>>
      tpu.enqueue_indirect_dma source(%dma_start3A_103 : memref<1000000x64xf32, #tpu.memory_space<hbm>>) target(%dma_start3A_97 : memref<72x64xf32, #tpu.memory_space<vmem>>) offsets(%dma_start3A_100 : memref<72xi32, #tpu.memory_space<vmem>>) semaphore(%arg9 : memref<!tpu.dma_semaphore, #tpu.memory_space<semaphore_mem>>)
      %dma_start3A_104 = arith.constant 3 : i32
      %dma_start3A_105 = arith.constant 3 : i32
      %dma_start3A_106 = arith.constant 0 : i32
      %dma_start3A_107 = arith.constant 0 : i32
      %dma_start3A_108 = tpu.memref_slice %arg7[%dma_start3A_105, %dma_start3A_106, %dma_start3A_107] : memref<4x200x64xf32, #tpu.memory_space<vmem>> -> memref<1x128x64xf32, #tpu.memory_space<vmem>>
      %dma_start3A_109 = tpu.memref_squeeze %dma_start3A_108 : memref<1x128x64xf32, #tpu.memory_space<vmem>> -> memref<128x64xf32, #tpu.memory_space<vmem>>
      %dma_start3A_110 = arith.constant 0 : i32
      %dma_start3A_111 = tpu.memref_slice %arg5[%dma_start3A_104, %dma_start3A_110] : memref<4x200xi32, #tpu.memory_space<vmem>> -> memref<1x128xi32, #tpu.memory_space<vmem>>
      %dma_start3A_112 = tpu.memref_squeeze %dma_start3A_111 : memref<1x128xi32, #tpu.memory_space<vmem>> -> memref<128xi32, #tpu.memory_space<vmem>>
      %dma_start3A_113 = arith.constant 0 : i32
      %dma_start3A_114 = arith.constant 0 : i32
      %dma_start3A_115 = tpu.memref_slice %arg3[%dma_start3A_113, %dma_start3A_114] : memref<1000000x64xf32, #tpu.memory_space<hbm>> -> memref<1000000x64xf32, #tpu.memory_space<hbm>>
      tpu.enqueue_indirect_dma source(%dma_start3A_115 : memref<1000000x64xf32, #tpu.memory_space<hbm>>) target(%dma_start3A_109 : memref<128x64xf32, #tpu.memory_space<vmem>>) offsets(%dma_start3A_112 : memref<128xi32, #tpu.memory_space<vmem>>) semaphore(%arg9 : memref<!tpu.dma_semaphore, #tpu.memory_space<semaphore_mem>>)
      %dma_start3A_116 = arith.constant 3 : i32
      %dma_start3A_117 = arith.constant 3 : i32
      %dma_start3A_118 = arith.constant 128 : i32
      %dma_start3A_119 = arith.constant 0 : i32
      %dma_start3A_120 = tpu.memref_slice %arg7[%dma_start3A_117, %dma_start3A_118, %dma_start3A_119] : memref<4x200x64xf32, #tpu.memory_space<vmem>> -> memref<1x72x64xf32, #tpu.memory_space<vmem>>
      %dma_start3A_121 = tpu.memref_squeeze %dma_start3A_120 : memref<1x72x64xf32, #tpu.memory_space<vmem>> -> memref<72x64xf32, #tpu.memory_space<vmem>>
      %dma_start3A_122 = arith.constant 128 : i32
      %dma_start3A_123 = tpu.memref_slice %arg5[%dma_start3A_116, %dma_start3A_122] : memref<4x200xi32, #tpu.memory_space<vmem>> -> memref<1x72xi32, #tpu.memory_space<vmem>>
      %dma_start3A_124 = tpu.memref_squeeze %dma_start3A_123 : memref<1x72xi32, #tpu.memory_space<vmem>> -> memref<72xi32, #tpu.memory_space<vmem>>
      %dma_start3A_125 = arith.constant 0 : i32
      %dma_start3A_126 = arith.constant 0 : i32
      %dma_start3A_127 = tpu.memref_slice %arg3[%dma_start3A_125, %dma_start3A_126] : memref<1000000x64xf32, #tpu.memory_space<hbm>> -> memref<1000000x64xf32, #tpu.memory_space<hbm>>
      tpu.enqueue_indirect_dma source(%dma_start3A_127 : memref<1000000x64xf32, #tpu.memory_space<hbm>>) target(%dma_start3A_121 : memref<72x64xf32, #tpu.memory_space<vmem>>) offsets(%dma_start3A_124 : memref<72xi32, #tpu.memory_space<vmem>>) semaphore(%arg9 : memref<!tpu.dma_semaphore, #tpu.memory_space<semaphore_mem>>)
      %mul3A_128 = arith.constant 2 : i32
      %mul3A_129 = arith.muli %scan3A_23, %mul3A_128 : i32
      %add3A_130 = arith.constant 1 : i32
      %add3A_131 = arith.addi %mul3A_129, %add3A_130 : i32
      %mul3A_132 = arith.constant 4 : i32
      %mul3A_133 = arith.muli %add3A_131, %mul3A_132 : i32
      %add3A_134 = arith.addi %mul3A_2, %mul3A_133 : i32
      %gt3A_135 = arith.constant 0 : i32
      %gt3A_136 = arith.cmpi sgt, %scan3A_23, %gt3A_135 : i32
      %convert_element_type3A_137 = arith.extui %gt3A_136 : i1 to i32
      %cond3A_138 = arith.constant 0 : i32
      %cond3A_139 = arith.cmpi ne, %convert_element_type3A_137, %cond3A_138 : i32
      scf.if %cond3A_139 {
        %dma_wait3A_454 = arith.constant 0 : i32
        %dma_wait3A_455 = arith.constant 0 : i32
        %dma_wait3A_456 = tpu.memref_slice %arg4[%add3A_134, %dma_wait3A_454, %dma_wait3A_455] : memref<4096x200x64xf32, #tpu.memory_space<hbm>> -> memref<4x200x64xf32, #tpu.memory_space<hbm>>
        %dma_wait3A_457 = arith.constant 0 : i32
        %dma_wait3A_458 = arith.constant 0 : i32
        %dma_wait3A_459 = tpu.memref_slice %arg4[%add3A_134, %dma_wait3A_457, %dma_wait3A_458] : memref<4096x200x64xf32, #tpu.memory_space<hbm>> -> memref<4x200x64xf32, #tpu.memory_space<hbm>>
        tpu.wait_dma2 semaphore(%arg12 : memref<!tpu.dma_semaphore, #tpu.memory_space<semaphore_mem>>) src(%arg8 : memref<4x200x64xf32, #tpu.memory_space<vmem>>) dst(%dma_wait3A_459 : memref<4x200x64xf32, #tpu.memory_space<hbm>>)
      } else {
      }
      "tpu.region"() ({
        %run_scoped3A = tpu.sem_alloc : memref<!tpu.dma_semaphore, #tpu.memory_space<semaphore_mem>>
        %dma_start3A_454 = arith.constant 0 : i32
        %dma_start3A_455 = tpu.memref_slice %arg2[%add3A_134, %dma_start3A_454] : memref<4096x200xi32, #tpu.memory_space<hbm>> -> memref<4x200xi32, #tpu.memory_space<hbm>>
        %dma_start3A_456 = arith.constant 0 : i32
        %dma_start3A_457 = tpu.memref_slice %arg2[%add3A_134, %dma_start3A_456] : memref<4096x200xi32, #tpu.memory_space<hbm>> -> memref<4x200xi32, #tpu.memory_space<hbm>>
        tpu.enqueue_dma source(%dma_start3A_457 : memref<4x200xi32, #tpu.memory_space<hbm>>) target(%arg6 : memref<4x200xi32, #tpu.memory_space<vmem>>) target_semaphore(%run_scoped3A : memref<!tpu.dma_semaphore, #tpu.memory_space<semaphore_mem>>)
        %dma_wait3A_458 = arith.constant 0 : i32
        %dma_wait3A_459 = tpu.memref_slice %arg2[%add3A_134, %dma_wait3A_458] : memref<4096x200xi32, #tpu.memory_space<hbm>> -> memref<4x200xi32, #tpu.memory_space<hbm>>
        %dma_wait3A_460 = arith.constant 0 : i32
        %dma_wait3A_461 = tpu.memref_slice %arg2[%add3A_134, %dma_wait3A_460] : memref<4096x200xi32, #tpu.memory_space<hbm>> -> memref<4x200xi32, #tpu.memory_space<hbm>>
        tpu.wait_dma2 semaphore(%run_scoped3A : memref<!tpu.dma_semaphore, #tpu.memory_space<semaphore_mem>>) src(%dma_wait3A_461 : memref<4x200xi32, #tpu.memory_space<hbm>>) dst(%arg6 : memref<4x200xi32, #tpu.memory_space<vmem>>)
        tpu.yield
      }) : () -> ()
      %dma_start3A_140 = arith.constant 0 : i32
      %dma_start3A_141 = arith.constant 0 : i32
      %dma_start3A_142 = arith.constant 0 : i32
      %dma_start3A_143 = arith.constant 0 : i32
      %dma_start3A_144 = tpu.memref_slice %arg8[%dma_start3A_141, %dma_start3A_142, %dma_start3A_143] : memref<4x200x64xf32, #tpu.memory_space<vmem>> -> memref<1x128x64xf32, #tpu.memory_space<vmem>>
      %dma_start3A_145 = tpu.memref_squeeze %dma_start3A_144 : memref<1x128x64xf32, #tpu.memory_space<vmem>> -> memref<128x64xf32, #tpu.memory_space<vmem>>
      %dma_start3A_146 = arith.constant 0 : i32
      %dma_start3A_147 = tpu.memref_slice %arg6[%dma_start3A_140, %dma_start3A_146] : memref<4x200xi32, #tpu.memory_space<vmem>> -> memref<1x128xi32, #tpu.memory_space<vmem>>
      %dma_start3A_148 = tpu.memref_squeeze %dma_start3A_147 : memref<1x128xi32, #tpu.memory_space<vmem>> -> memref<128xi32, #tpu.memory_space<vmem>>
      %dma_start3A_149 = arith.constant 0 : i32
      %dma_start3A_150 = arith.constant 0 : i32
      %dma_start3A_151 = tpu.memref_slice %arg3[%dma_start3A_149, %dma_start3A_150] : memref<1000000x64xf32, #tpu.memory_space<hbm>> -> memref<1000000x64xf32, #tpu.memory_space<hbm>>
      tpu.enqueue_indirect_dma source(%dma_start3A_151 : memref<1000000x64xf32, #tpu.memory_space<hbm>>) target(%dma_start3A_145 : memref<128x64xf32, #tpu.memory_space<vmem>>) offsets(%dma_start3A_148 : memref<128xi32, #tpu.memory_space<vmem>>) semaphore(%arg10 : memref<!tpu.dma_semaphore, #tpu.memory_space<semaphore_mem>>)
      %dma_start3A_152 = arith.constant 0 : i32
      %dma_start3A_153 = arith.constant 0 : i32
      %dma_start3A_154 = arith.constant 128 : i32
      %dma_start3A_155 = arith.constant 0 : i32
      %dma_start3A_156 = tpu.memref_slice %arg8[%dma_start3A_153, %dma_start3A_154, %dma_start3A_155] : memref<4x200x64xf32, #tpu.memory_space<vmem>> -> memref<1x72x64xf32, #tpu.memory_space<vmem>>
      %dma_start3A_157 = tpu.memref_squeeze %dma_start3A_156 : memref<1x72x64xf32, #tpu.memory_space<vmem>> -> memref<72x64xf32, #tpu.memory_space<vmem>>
      %dma_start3A_158 = arith.constant 128 : i32
      %dma_start3A_159 = tpu.memref_slice %arg6[%dma_start3A_152, %dma_start3A_158] : memref<4x200xi32, #tpu.memory_space<vmem>> -> memref<1x72xi32, #tpu.memory_space<vmem>>
      %dma_start3A_160 = tpu.memref_squeeze %dma_start3A_159 : memref<1x72xi32, #tpu.memory_space<vmem>> -> memref<72xi32, #tpu.memory_space<vmem>>
      %dma_start3A_161 = arith.constant 0 : i32
      %dma_start3A_162 = arith.constant 0 : i32
      %dma_start3A_163 = tpu.memref_slice %arg3[%dma_start3A_161, %dma_start3A_162] : memref<1000000x64xf32, #tpu.memory_space<hbm>> -> memref<1000000x64xf32, #tpu.memory_space<hbm>>
      tpu.enqueue_indirect_dma source(%dma_start3A_163 : memref<1000000x64xf32, #tpu.memory_space<hbm>>) target(%dma_start3A_157 : memref<72x64xf32, #tpu.memory_space<vmem>>) offsets(%dma_start3A_160 : memref<72xi32, #tpu.memory_space<vmem>>) semaphore(%arg10 : memref<!tpu.dma_semaphore, #tpu.memory_space<semaphore_mem>>)
      %dma_start3A_164 = arith.constant 1 : i32
      %dma_start3A_165 = arith.constant 1 : i32
      %dma_start3A_166 = arith.constant 0 : i32
      %dma_start3A_167 = arith.constant 0 : i32
      %dma_start3A_168 = tpu.memref_slice %arg8[%dma_start3A_165, %dma_start3A_166, %dma_start3A_167] : memref<4x200x64xf32, #tpu.memory_space<vmem>> -> memref<1x128x64xf32, #tpu.memory_space<vmem>>
      %dma_start3A_169 = tpu.memref_squeeze %dma_start3A_168 : memref<1x128x64xf32, #tpu.memory_space<vmem>> -> memref<128x64xf32, #tpu.memory_space<vmem>>
      %dma_start3A_170 = arith.constant 0 : i32
      %dma_start3A_171 = tpu.memref_slice %arg6[%dma_start3A_164, %dma_start3A_170] : memref<4x200xi32, #tpu.memory_space<vmem>> -> memref<1x128xi32, #tpu.memory_space<vmem>>
      %dma_start3A_172 = tpu.memref_squeeze %dma_start3A_171 : memref<1x128xi32, #tpu.memory_space<vmem>> -> memref<128xi32, #tpu.memory_space<vmem>>
      %dma_start3A_173 = arith.constant 0 : i32
      %dma_start3A_174 = arith.constant 0 : i32
      %dma_start3A_175 = tpu.memref_slice %arg3[%dma_start3A_173, %dma_start3A_174] : memref<1000000x64xf32, #tpu.memory_space<hbm>> -> memref<1000000x64xf32, #tpu.memory_space<hbm>>
      tpu.enqueue_indirect_dma source(%dma_start3A_175 : memref<1000000x64xf32, #tpu.memory_space<hbm>>) target(%dma_start3A_169 : memref<128x64xf32, #tpu.memory_space<vmem>>) offsets(%dma_start3A_172 : memref<128xi32, #tpu.memory_space<vmem>>) semaphore(%arg10 : memref<!tpu.dma_semaphore, #tpu.memory_space<semaphore_mem>>)
      %dma_start3A_176 = arith.constant 1 : i32
      %dma_start3A_177 = arith.constant 1 : i32
      %dma_start3A_178 = arith.constant 128 : i32
      %dma_start3A_179 = arith.constant 0 : i32
      %dma_start3A_180 = tpu.memref_slice %arg8[%dma_start3A_177, %dma_start3A_178, %dma_start3A_179] : memref<4x200x64xf32, #tpu.memory_space<vmem>> -> memref<1x72x64xf32, #tpu.memory_space<vmem>>
      %dma_start3A_181 = tpu.memref_squeeze %dma_start3A_180 : memref<1x72x64xf32, #tpu.memory_space<vmem>> -> memref<72x64xf32, #tpu.memory_space<vmem>>
      %dma_start3A_182 = arith.constant 128 : i32
      %dma_start3A_183 = tpu.memref_slice %arg6[%dma_start3A_176, %dma_start3A_182] : memref<4x200xi32, #tpu.memory_space<vmem>> -> memref<1x72xi32, #tpu.memory_space<vmem>>
      %dma_start3A_184 = tpu.memref_squeeze %dma_start3A_183 : memref<1x72xi32, #tpu.memory_space<vmem>> -> memref<72xi32, #tpu.memory_space<vmem>>
      %dma_start3A_185 = arith.constant 0 : i32
      %dma_start3A_186 = arith.constant 0 : i32
      %dma_start3A_187 = tpu.memref_slice %arg3[%dma_start3A_185, %dma_start3A_186] : memref<1000000x64xf32, #tpu.memory_space<hbm>> -> memref<1000000x64xf32, #tpu.memory_space<hbm>>
      tpu.enqueue_indirect_dma source(%dma_start3A_187 : memref<1000000x64xf32, #tpu.memory_space<hbm>>) target(%dma_start3A_181 : memref<72x64xf32, #tpu.memory_space<vmem>>) offsets(%dma_start3A_184 : memref<72xi32, #tpu.memory_space<vmem>>) semaphore(%arg10 : memref<!tpu.dma_semaphore, #tpu.memory_space<semaphore_mem>>)
      %dma_start3A_188 = arith.constant 2 : i32
      %dma_start3A_189 = arith.constant 2 : i32
      %dma_start3A_190 = arith.constant 0 : i32
      %dma_start3A_191 = arith.constant 0 : i32
      %dma_start3A_192 = tpu.memref_slice %arg8[%dma_start3A_189, %dma_start3A_190, %dma_start3A_191] : memref<4x200x64xf32, #tpu.memory_space<vmem>> -> memref<1x128x64xf32, #tpu.memory_space<vmem>>
      %dma_start3A_193 = tpu.memref_squeeze %dma_start3A_192 : memref<1x128x64xf32, #tpu.memory_space<vmem>> -> memref<128x64xf32, #tpu.memory_space<vmem>>
      %dma_start3A_194 = arith.constant 0 : i32
      %dma_start3A_195 = tpu.memref_slice %arg6[%dma_start3A_188, %dma_start3A_194] : memref<4x200xi32, #tpu.memory_space<vmem>> -> memref<1x128xi32, #tpu.memory_space<vmem>>
      %dma_start3A_196 = tpu.memref_squeeze %dma_start3A_195 : memref<1x128xi32, #tpu.memory_space<vmem>> -> memref<128xi32, #tpu.memory_space<vmem>>
      %dma_start3A_197 = arith.constant 0 : i32
      %dma_start3A_198 = arith.constant 0 : i32
      %dma_start3A_199 = tpu.memref_slice %arg3[%dma_start3A_197, %dma_start3A_198] : memref<1000000x64xf32, #tpu.memory_space<hbm>> -> memref<1000000x64xf32, #tpu.memory_space<hbm>>
      tpu.enqueue_indirect_dma source(%dma_start3A_199 : memref<1000000x64xf32, #tpu.memory_space<hbm>>) target(%dma_start3A_193 : memref<128x64xf32, #tpu.memory_space<vmem>>) offsets(%dma_start3A_196 : memref<128xi32, #tpu.memory_space<vmem>>) semaphore(%arg10 : memref<!tpu.dma_semaphore, #tpu.memory_space<semaphore_mem>>)
      %dma_start3A_200 = arith.constant 2 : i32
      %dma_start3A_201 = arith.constant 2 : i32
      %dma_start3A_202 = arith.constant 128 : i32
      %dma_start3A_203 = arith.constant 0 : i32
      %dma_start3A_204 = tpu.memref_slice %arg8[%dma_start3A_201, %dma_start3A_202, %dma_start3A_203] : memref<4x200x64xf32, #tpu.memory_space<vmem>> -> memref<1x72x64xf32, #tpu.memory_space<vmem>>
      %dma_start3A_205 = tpu.memref_squeeze %dma_start3A_204 : memref<1x72x64xf32, #tpu.memory_space<vmem>> -> memref<72x64xf32, #tpu.memory_space<vmem>>
      %dma_start3A_206 = arith.constant 128 : i32
      %dma_start3A_207 = tpu.memref_slice %arg6[%dma_start3A_200, %dma_start3A_206] : memref<4x200xi32, #tpu.memory_space<vmem>> -> memref<1x72xi32, #tpu.memory_space<vmem>>
      %dma_start3A_208 = tpu.memref_squeeze %dma_start3A_207 : memref<1x72xi32, #tpu.memory_space<vmem>> -> memref<72xi32, #tpu.memory_space<vmem>>
      %dma_start3A_209 = arith.constant 0 : i32
      %dma_start3A_210 = arith.constant 0 : i32
      %dma_start3A_211 = tpu.memref_slice %arg3[%dma_start3A_209, %dma_start3A_210] : memref<1000000x64xf32, #tpu.memory_space<hbm>> -> memref<1000000x64xf32, #tpu.memory_space<hbm>>
      tpu.enqueue_indirect_dma source(%dma_start3A_211 : memref<1000000x64xf32, #tpu.memory_space<hbm>>) target(%dma_start3A_205 : memref<72x64xf32, #tpu.memory_space<vmem>>) offsets(%dma_start3A_208 : memref<72xi32, #tpu.memory_space<vmem>>) semaphore(%arg10 : memref<!tpu.dma_semaphore, #tpu.memory_space<semaphore_mem>>)
      %dma_start3A_212 = arith.constant 3 : i32
      %dma_start3A_213 = arith.constant 3 : i32
      %dma_start3A_214 = arith.constant 0 : i32
      %dma_start3A_215 = arith.constant 0 : i32
      %dma_start3A_216 = tpu.memref_slice %arg8[%dma_start3A_213, %dma_start3A_214, %dma_start3A_215] : memref<4x200x64xf32, #tpu.memory_space<vmem>> -> memref<1x128x64xf32, #tpu.memory_space<vmem>>
      %dma_start3A_217 = tpu.memref_squeeze %dma_start3A_216 : memref<1x128x64xf32, #tpu.memory_space<vmem>> -> memref<128x64xf32, #tpu.memory_space<vmem>>
      %dma_start3A_218 = arith.constant 0 : i32
      %dma_start3A_219 = tpu.memref_slice %arg6[%dma_start3A_212, %dma_start3A_218] : memref<4x200xi32, #tpu.memory_space<vmem>> -> memref<1x128xi32, #tpu.memory_space<vmem>>
      %dma_start3A_220 = tpu.memref_squeeze %dma_start3A_219 : memref<1x128xi32, #tpu.memory_space<vmem>> -> memref<128xi32, #tpu.memory_space<vmem>>
      %dma_start3A_221 = arith.constant 0 : i32
      %dma_start3A_222 = arith.constant 0 : i32
      %dma_start3A_223 = tpu.memref_slice %arg3[%dma_start3A_221, %dma_start3A_222] : memref<1000000x64xf32, #tpu.memory_space<hbm>> -> memref<1000000x64xf32, #tpu.memory_space<hbm>>
      tpu.enqueue_indirect_dma source(%dma_start3A_223 : memref<1000000x64xf32, #tpu.memory_space<hbm>>) target(%dma_start3A_217 : memref<128x64xf32, #tpu.memory_space<vmem>>) offsets(%dma_start3A_220 : memref<128xi32, #tpu.memory_space<vmem>>) semaphore(%arg10 : memref<!tpu.dma_semaphore, #tpu.memory_space<semaphore_mem>>)
      %dma_start3A_224 = arith.constant 3 : i32
      %dma_start3A_225 = arith.constant 3 : i32
      %dma_start3A_226 = arith.constant 128 : i32
      %dma_start3A_227 = arith.constant 0 : i32
      %dma_start3A_228 = tpu.memref_slice %arg8[%dma_start3A_225, %dma_start3A_226, %dma_start3A_227] : memref<4x200x64xf32, #tpu.memory_space<vmem>> -> memref<1x72x64xf32, #tpu.memory_space<vmem>>
      %dma_start3A_229 = tpu.memref_squeeze %dma_start3A_228 : memref<1x72x64xf32, #tpu.memory_space<vmem>> -> memref<72x64xf32, #tpu.memory_space<vmem>>
      %dma_start3A_230 = arith.constant 128 : i32
      %dma_start3A_231 = tpu.memref_slice %arg6[%dma_start3A_224, %dma_start3A_230] : memref<4x200xi32, #tpu.memory_space<vmem>> -> memref<1x72xi32, #tpu.memory_space<vmem>>
      %dma_start3A_232 = tpu.memref_squeeze %dma_start3A_231 : memref<1x72xi32, #tpu.memory_space<vmem>> -> memref<72xi32, #tpu.memory_space<vmem>>
      %dma_start3A_233 = arith.constant 0 : i32
      %dma_start3A_234 = arith.constant 0 : i32
      %dma_start3A_235 = tpu.memref_slice %arg3[%dma_start3A_233, %dma_start3A_234] : memref<1000000x64xf32, #tpu.memory_space<hbm>> -> memref<1000000x64xf32, #tpu.memory_space<hbm>>
      tpu.enqueue_indirect_dma source(%dma_start3A_235 : memref<1000000x64xf32, #tpu.memory_space<hbm>>) target(%dma_start3A_229 : memref<72x64xf32, #tpu.memory_space<vmem>>) offsets(%dma_start3A_232 : memref<72xi32, #tpu.memory_space<vmem>>) semaphore(%arg10 : memref<!tpu.dma_semaphore, #tpu.memory_space<semaphore_mem>>)
      %mul3A_236 = arith.constant 2 : i32
      %mul3A_237 = arith.muli %scan3A_23, %mul3A_236 : i32
      %add3A_238 = arith.constant 0 : i32
      %add3A_239 = arith.addi %mul3A_237, %add3A_238 : i32
      %mul3A_240 = arith.constant 4 : i32
      %mul3A_241 = arith.muli %add3A_239, %mul3A_240 : i32
      %add3A_242 = arith.addi %mul3A_2, %mul3A_241 : i32
      %dma_wait3A_243 = arith.constant 0 : i32
      %dma_wait3A_244 = arith.constant 0 : i32
      %dma_wait3A_245 = arith.constant 0 : i32
      %dma_wait3A_246 = arith.constant 0 : i32
      %dma_wait3A_247 = tpu.memref_slice %arg7[%dma_wait3A_244, %dma_wait3A_245, %dma_wait3A_246] : memref<4x200x64xf32, #tpu.memory_space<vmem>> -> memref<1x128x64xf32, #tpu.memory_space<vmem>>
      %dma_wait3A_248 = tpu.memref_squeeze %dma_wait3A_247 : memref<1x128x64xf32, #tpu.memory_space<vmem>> -> memref<128x64xf32, #tpu.memory_space<vmem>>
      %dma_wait3A_249 = arith.constant 0 : i32
      %dma_wait3A_250 = tpu.memref_slice %arg5[%dma_wait3A_243, %dma_wait3A_249] : memref<4x200xi32, #tpu.memory_space<vmem>> -> memref<1x128xi32, #tpu.memory_space<vmem>>
      %dma_wait3A_251 = tpu.memref_squeeze %dma_wait3A_250 : memref<1x128xi32, #tpu.memory_space<vmem>> -> memref<128xi32, #tpu.memory_space<vmem>>
      %dma_wait3A_252 = arith.constant 0 : i32
      %dma_wait3A_253 = arith.constant 0 : i32
      %dma_wait3A_254 = tpu.memref_slice %arg3[%dma_wait3A_252, %dma_wait3A_253] : memref<1000000x64xf32, #tpu.memory_space<hbm>> -> memref<1000000x64xf32, #tpu.memory_space<hbm>>
      tpu.wait_indirect_dma semaphore(%arg9 : memref<!tpu.dma_semaphore, #tpu.memory_space<semaphore_mem>>) src(%dma_wait3A_254 : memref<1000000x64xf32, #tpu.memory_space<hbm>>) dst(%dma_wait3A_248 : memref<128x64xf32, #tpu.memory_space<vmem>>)
      %dma_wait3A_255 = arith.constant 0 : i32
      %dma_wait3A_256 = arith.constant 0 : i32
      %dma_wait3A_257 = arith.constant 128 : i32
      %dma_wait3A_258 = arith.constant 0 : i32
      %dma_wait3A_259 = tpu.memref_slice %arg7[%dma_wait3A_256, %dma_wait3A_257, %dma_wait3A_258] : memref<4x200x64xf32, #tpu.memory_space<vmem>> -> memref<1x72x64xf32, #tpu.memory_space<vmem>>
      %dma_wait3A_260 = tpu.memref_squeeze %dma_wait3A_259 : memref<1x72x64xf32, #tpu.memory_space<vmem>> -> memref<72x64xf32, #tpu.memory_space<vmem>>
      %dma_wait3A_261 = arith.constant 128 : i32
      %dma_wait3A_262 = tpu.memref_slice %arg5[%dma_wait3A_255, %dma_wait3A_261] : memref<4x200xi32, #tpu.memory_space<vmem>> -> memref<1x72xi32, #tpu.memory_space<vmem>>
      %dma_wait3A_263 = tpu.memref_squeeze %dma_wait3A_262 : memref<1x72xi32, #tpu.memory_space<vmem>> -> memref<72xi32, #tpu.memory_space<vmem>>
      %dma_wait3A_264 = arith.constant 0 : i32
      %dma_wait3A_265 = arith.constant 0 : i32
      %dma_wait3A_266 = tpu.memref_slice %arg3[%dma_wait3A_264, %dma_wait3A_265] : memref<1000000x64xf32, #tpu.memory_space<hbm>> -> memref<1000000x64xf32, #tpu.memory_space<hbm>>
      tpu.wait_indirect_dma semaphore(%arg9 : memref<!tpu.dma_semaphore, #tpu.memory_space<semaphore_mem>>) src(%dma_wait3A_266 : memref<1000000x64xf32, #tpu.memory_space<hbm>>) dst(%dma_wait3A_260 : memref<72x64xf32, #tpu.memory_space<vmem>>)
      %dma_wait3A_267 = arith.constant 1 : i32
      %dma_wait3A_268 = arith.constant 1 : i32
      %dma_wait3A_269 = arith.constant 0 : i32
      %dma_wait3A_270 = arith.constant 0 : i32
      %dma_wait3A_271 = tpu.memref_slice %arg7[%dma_wait3A_268, %dma_wait3A_269, %dma_wait3A_270] : memref<4x200x64xf32, #tpu.memory_space<vmem>> -> memref<1x128x64xf32, #tpu.memory_space<vmem>>
      %dma_wait3A_272 = tpu.memref_squeeze %dma_wait3A_271 : memref<1x128x64xf32, #tpu.memory_space<vmem>> -> memref<128x64xf32, #tpu.memory_space<vmem>>
      %dma_wait3A_273 = arith.constant 0 : i32
      %dma_wait3A_274 = tpu.memref_slice %arg5[%dma_wait3A_267, %dma_wait3A_273] : memref<4x200xi32, #tpu.memory_space<vmem>> -> memref<1x128xi32, #tpu.memory_space<vmem>>
      %dma_wait3A_275 = tpu.memref_squeeze %dma_wait3A_274 : memref<1x128xi32, #tpu.memory_space<vmem>> -> memref<128xi32, #tpu.memory_space<vmem>>
      %dma_wait3A_276 = arith.constant 0 : i32
      %dma_wait3A_277 = arith.constant 0 : i32
      %dma_wait3A_278 = tpu.memref_slice %arg3[%dma_wait3A_276, %dma_wait3A_277] : memref<1000000x64xf32, #tpu.memory_space<hbm>> -> memref<1000000x64xf32, #tpu.memory_space<hbm>>
      tpu.wait_indirect_dma semaphore(%arg9 : memref<!tpu.dma_semaphore, #tpu.memory_space<semaphore_mem>>) src(%dma_wait3A_278 : memref<1000000x64xf32, #tpu.memory_space<hbm>>) dst(%dma_wait3A_272 : memref<128x64xf32, #tpu.memory_space<vmem>>)
      %dma_wait3A_279 = arith.constant 1 : i32
      %dma_wait3A_280 = arith.constant 1 : i32
      %dma_wait3A_281 = arith.constant 128 : i32
      %dma_wait3A_282 = arith.constant 0 : i32
      %dma_wait3A_283 = tpu.memref_slice %arg7[%dma_wait3A_280, %dma_wait3A_281, %dma_wait3A_282] : memref<4x200x64xf32, #tpu.memory_space<vmem>> -> memref<1x72x64xf32, #tpu.memory_space<vmem>>
      %dma_wait3A_284 = tpu.memref_squeeze %dma_wait3A_283 : memref<1x72x64xf32, #tpu.memory_space<vmem>> -> memref<72x64xf32, #tpu.memory_space<vmem>>
      %dma_wait3A_285 = arith.constant 128 : i32
      %dma_wait3A_286 = tpu.memref_slice %arg5[%dma_wait3A_279, %dma_wait3A_285] : memref<4x200xi32, #tpu.memory_space<vmem>> -> memref<1x72xi32, #tpu.memory_space<vmem>>
      %dma_wait3A_287 = tpu.memref_squeeze %dma_wait3A_286 : memref<1x72xi32, #tpu.memory_space<vmem>> -> memref<72xi32, #tpu.memory_space<vmem>>
      %dma_wait3A_288 = arith.constant 0 : i32
      %dma_wait3A_289 = arith.constant 0 : i32
      %dma_wait3A_290 = tpu.memref_slice %arg3[%dma_wait3A_288, %dma_wait3A_289] : memref<1000000x64xf32, #tpu.memory_space<hbm>> -> memref<1000000x64xf32, #tpu.memory_space<hbm>>
      tpu.wait_indirect_dma semaphore(%arg9 : memref<!tpu.dma_semaphore, #tpu.memory_space<semaphore_mem>>) src(%dma_wait3A_290 : memref<1000000x64xf32, #tpu.memory_space<hbm>>) dst(%dma_wait3A_284 : memref<72x64xf32, #tpu.memory_space<vmem>>)
      %dma_wait3A_291 = arith.constant 2 : i32
      %dma_wait3A_292 = arith.constant 2 : i32
      %dma_wait3A_293 = arith.constant 0 : i32
      %dma_wait3A_294 = arith.constant 0 : i32
      %dma_wait3A_295 = tpu.memref_slice %arg7[%dma_wait3A_292, %dma_wait3A_293, %dma_wait3A_294] : memref<4x200x64xf32, #tpu.memory_space<vmem>> -> memref<1x128x64xf32, #tpu.memory_space<vmem>>
      %dma_wait3A_296 = tpu.memref_squeeze %dma_wait3A_295 : memref<1x128x64xf32, #tpu.memory_space<vmem>> -> memref<128x64xf32, #tpu.memory_space<vmem>>
      %dma_wait3A_297 = arith.constant 0 : i32
      %dma_wait3A_298 = tpu.memref_slice %arg5[%dma_wait3A_291, %dma_wait3A_297] : memref<4x200xi32, #tpu.memory_space<vmem>> -> memref<1x128xi32, #tpu.memory_space<vmem>>
      %dma_wait3A_299 = tpu.memref_squeeze %dma_wait3A_298 : memref<1x128xi32, #tpu.memory_space<vmem>> -> memref<128xi32, #tpu.memory_space<vmem>>
      %dma_wait3A_300 = arith.constant 0 : i32
      %dma_wait3A_301 = arith.constant 0 : i32
      %dma_wait3A_302 = tpu.memref_slice %arg3[%dma_wait3A_300, %dma_wait3A_301] : memref<1000000x64xf32, #tpu.memory_space<hbm>> -> memref<1000000x64xf32, #tpu.memory_space<hbm>>
      tpu.wait_indirect_dma semaphore(%arg9 : memref<!tpu.dma_semaphore, #tpu.memory_space<semaphore_mem>>) src(%dma_wait3A_302 : memref<1000000x64xf32, #tpu.memory_space<hbm>>) dst(%dma_wait3A_296 : memref<128x64xf32, #tpu.memory_space<vmem>>)
      %dma_wait3A_303 = arith.constant 2 : i32
      %dma_wait3A_304 = arith.constant 2 : i32
      %dma_wait3A_305 = arith.constant 128 : i32
      %dma_wait3A_306 = arith.constant 0 : i32
      %dma_wait3A_307 = tpu.memref_slice %arg7[%dma_wait3A_304, %dma_wait3A_305, %dma_wait3A_306] : memref<4x200x64xf32, #tpu.memory_space<vmem>> -> memref<1x72x64xf32, #tpu.memory_space<vmem>>
      %dma_wait3A_308 = tpu.memref_squeeze %dma_wait3A_307 : memref<1x72x64xf32, #tpu.memory_space<vmem>> -> memref<72x64xf32, #tpu.memory_space<vmem>>
      %dma_wait3A_309 = arith.constant 128 : i32
      %dma_wait3A_310 = tpu.memref_slice %arg5[%dma_wait3A_303, %dma_wait3A_309] : memref<4x200xi32, #tpu.memory_space<vmem>> -> memref<1x72xi32, #tpu.memory_space<vmem>>
      %dma_wait3A_311 = tpu.memref_squeeze %dma_wait3A_310 : memref<1x72xi32, #tpu.memory_space<vmem>> -> memref<72xi32, #tpu.memory_space<vmem>>
      %dma_wait3A_312 = arith.constant 0 : i32
      %dma_wait3A_313 = arith.constant 0 : i32
      %dma_wait3A_314 = tpu.memref_slice %arg3[%dma_wait3A_312, %dma_wait3A_313] : memref<1000000x64xf32, #tpu.memory_space<hbm>> -> memref<1000000x64xf32, #tpu.memory_space<hbm>>
      tpu.wait_indirect_dma semaphore(%arg9 : memref<!tpu.dma_semaphore, #tpu.memory_space<semaphore_mem>>) src(%dma_wait3A_314 : memref<1000000x64xf32, #tpu.memory_space<hbm>>) dst(%dma_wait3A_308 : memref<72x64xf32, #tpu.memory_space<vmem>>)
      %dma_wait3A_315 = arith.constant 3 : i32
      %dma_wait3A_316 = arith.constant 3 : i32
      %dma_wait3A_317 = arith.constant 0 : i32
      %dma_wait3A_318 = arith.constant 0 : i32
      %dma_wait3A_319 = tpu.memref_slice %arg7[%dma_wait3A_316, %dma_wait3A_317, %dma_wait3A_318] : memref<4x200x64xf32, #tpu.memory_space<vmem>> -> memref<1x128x64xf32, #tpu.memory_space<vmem>>
      %dma_wait3A_320 = tpu.memref_squeeze %dma_wait3A_319 : memref<1x128x64xf32, #tpu.memory_space<vmem>> -> memref<128x64xf32, #tpu.memory_space<vmem>>
      %dma_wait3A_321 = arith.constant 0 : i32
      %dma_wait3A_322 = tpu.memref_slice %arg5[%dma_wait3A_315, %dma_wait3A_321] : memref<4x200xi32, #tpu.memory_space<vmem>> -> memref<1x128xi32, #tpu.memory_space<vmem>>
      %dma_wait3A_323 = tpu.memref_squeeze %dma_wait3A_322 : memref<1x128xi32, #tpu.memory_space<vmem>> -> memref<128xi32, #tpu.memory_space<vmem>>
      %dma_wait3A_324 = arith.constant 0 : i32
      %dma_wait3A_325 = arith.constant 0 : i32
      %dma_wait3A_326 = tpu.memref_slice %arg3[%dma_wait3A_324, %dma_wait3A_325] : memref<1000000x64xf32, #tpu.memory_space<hbm>> -> memref<1000000x64xf32, #tpu.memory_space<hbm>>
      tpu.wait_indirect_dma semaphore(%arg9 : memref<!tpu.dma_semaphore, #tpu.memory_space<semaphore_mem>>) src(%dma_wait3A_326 : memref<1000000x64xf32, #tpu.memory_space<hbm>>) dst(%dma_wait3A_320 : memref<128x64xf32, #tpu.memory_space<vmem>>)
      %dma_wait3A_327 = arith.constant 3 : i32
      %dma_wait3A_328 = arith.constant 3 : i32
      %dma_wait3A_329 = arith.constant 128 : i32
      %dma_wait3A_330 = arith.constant 0 : i32
      %dma_wait3A_331 = tpu.memref_slice %arg7[%dma_wait3A_328, %dma_wait3A_329, %dma_wait3A_330] : memref<4x200x64xf32, #tpu.memory_space<vmem>> -> memref<1x72x64xf32, #tpu.memory_space<vmem>>
      %dma_wait3A_332 = tpu.memref_squeeze %dma_wait3A_331 : memref<1x72x64xf32, #tpu.memory_space<vmem>> -> memref<72x64xf32, #tpu.memory_space<vmem>>
      %dma_wait3A_333 = arith.constant 128 : i32
      %dma_wait3A_334 = tpu.memref_slice %arg5[%dma_wait3A_327, %dma_wait3A_333] : memref<4x200xi32, #tpu.memory_space<vmem>> -> memref<1x72xi32, #tpu.memory_space<vmem>>
      %dma_wait3A_335 = tpu.memref_squeeze %dma_wait3A_334 : memref<1x72xi32, #tpu.memory_space<vmem>> -> memref<72xi32, #tpu.memory_space<vmem>>
      %dma_wait3A_336 = arith.constant 0 : i32
      %dma_wait3A_337 = arith.constant 0 : i32
      %dma_wait3A_338 = tpu.memref_slice %arg3[%dma_wait3A_336, %dma_wait3A_337] : memref<1000000x64xf32, #tpu.memory_space<hbm>> -> memref<1000000x64xf32, #tpu.memory_space<hbm>>
      tpu.wait_indirect_dma semaphore(%arg9 : memref<!tpu.dma_semaphore, #tpu.memory_space<semaphore_mem>>) src(%dma_wait3A_338 : memref<1000000x64xf32, #tpu.memory_space<hbm>>) dst(%dma_wait3A_332 : memref<72x64xf32, #tpu.memory_space<vmem>>)
      %dma_start3A_339 = arith.constant 0 : i32
      %dma_start3A_340 = arith.constant 0 : i32
      %dma_start3A_341 = tpu.memref_slice %arg4[%add3A_242, %dma_start3A_339, %dma_start3A_340] : memref<4096x200x64xf32, #tpu.memory_space<hbm>> -> memref<4x200x64xf32, #tpu.memory_space<hbm>>
      %dma_start3A_342 = arith.constant 0 : i32
      %dma_start3A_343 = arith.constant 0 : i32
      %dma_start3A_344 = tpu.memref_slice %arg4[%add3A_242, %dma_start3A_342, %dma_start3A_343] : memref<4096x200x64xf32, #tpu.memory_space<hbm>> -> memref<4x200x64xf32, #tpu.memory_space<hbm>>
      tpu.enqueue_dma source(%arg7 : memref<4x200x64xf32, #tpu.memory_space<vmem>>) target(%dma_start3A_344 : memref<4x200x64xf32, #tpu.memory_space<hbm>>) target_semaphore(%arg11 : memref<!tpu.dma_semaphore, #tpu.memory_space<semaphore_mem>>)
      %mul3A_345 = arith.constant 2 : i32
      %mul3A_346 = arith.muli %scan3A_23, %mul3A_345 : i32
      %add3A_347 = arith.constant 1 : i32
      %add3A_348 = arith.addi %mul3A_346, %add3A_347 : i32
      %mul3A_349 = arith.constant 4 : i32
      %mul3A_350 = arith.muli %add3A_348, %mul3A_349 : i32
      %add3A_351 = arith.addi %mul3A_2, %mul3A_350 : i32
      %dma_wait3A_352 = arith.constant 0 : i32
      %dma_wait3A_353 = arith.constant 0 : i32
      %dma_wait3A_354 = arith.constant 0 : i32
      %dma_wait3A_355 = arith.constant 0 : i32
      %dma_wait3A_356 = tpu.memref_slice %arg8[%dma_wait3A_353, %dma_wait3A_354, %dma_wait3A_355] : memref<4x200x64xf32, #tpu.memory_space<vmem>> -> memref<1x128x64xf32, #tpu.memory_space<vmem>>
      %dma_wait3A_357 = tpu.memref_squeeze %dma_wait3A_356 : memref<1x128x64xf32, #tpu.memory_space<vmem>> -> memref<128x64xf32, #tpu.memory_space<vmem>>
      %dma_wait3A_358 = arith.constant 0 : i32
      %dma_wait3A_359 = tpu.memref_slice %arg6[%dma_wait3A_352, %dma_wait3A_358] : memref<4x200xi32, #tpu.memory_space<vmem>> -> memref<1x128xi32, #tpu.memory_space<vmem>>
      %dma_wait3A_360 = tpu.memref_squeeze %dma_wait3A_359 : memref<1x128xi32, #tpu.memory_space<vmem>> -> memref<128xi32, #tpu.memory_space<vmem>>
      %dma_wait3A_361 = arith.constant 0 : i32
      %dma_wait3A_362 = arith.constant 0 : i32
      %dma_wait3A_363 = tpu.memref_slice %arg3[%dma_wait3A_361, %dma_wait3A_362] : memref<1000000x64xf32, #tpu.memory_space<hbm>> -> memref<1000000x64xf32, #tpu.memory_space<hbm>>
      tpu.wait_indirect_dma semaphore(%arg10 : memref<!tpu.dma_semaphore, #tpu.memory_space<semaphore_mem>>) src(%dma_wait3A_363 : memref<1000000x64xf32, #tpu.memory_space<hbm>>) dst(%dma_wait3A_357 : memref<128x64xf32, #tpu.memory_space<vmem>>)
      %dma_wait3A_364 = arith.constant 0 : i32
      %dma_wait3A_365 = arith.constant 0 : i32
      %dma_wait3A_366 = arith.constant 128 : i32
      %dma_wait3A_367 = arith.constant 0 : i32
      %dma_wait3A_368 = tpu.memref_slice %arg8[%dma_wait3A_365, %dma_wait3A_366, %dma_wait3A_367] : memref<4x200x64xf32, #tpu.memory_space<vmem>> -> memref<1x72x64xf32, #tpu.memory_space<vmem>>
      %dma_wait3A_369 = tpu.memref_squeeze %dma_wait3A_368 : memref<1x72x64xf32, #tpu.memory_space<vmem>> -> memref<72x64xf32, #tpu.memory_space<vmem>>
      %dma_wait3A_370 = arith.constant 128 : i32
      %dma_wait3A_371 = tpu.memref_slice %arg6[%dma_wait3A_364, %dma_wait3A_370] : memref<4x200xi32, #tpu.memory_space<vmem>> -> memref<1x72xi32, #tpu.memory_space<vmem>>
      %dma_wait3A_372 = tpu.memref_squeeze %dma_wait3A_371 : memref<1x72xi32, #tpu.memory_space<vmem>> -> memref<72xi32, #tpu.memory_space<vmem>>
      %dma_wait3A_373 = arith.constant 0 : i32
      %dma_wait3A_374 = arith.constant 0 : i32
      %dma_wait3A_375 = tpu.memref_slice %arg3[%dma_wait3A_373, %dma_wait3A_374] : memref<1000000x64xf32, #tpu.memory_space<hbm>> -> memref<1000000x64xf32, #tpu.memory_space<hbm>>
      tpu.wait_indirect_dma semaphore(%arg10 : memref<!tpu.dma_semaphore, #tpu.memory_space<semaphore_mem>>) src(%dma_wait3A_375 : memref<1000000x64xf32, #tpu.memory_space<hbm>>) dst(%dma_wait3A_369 : memref<72x64xf32, #tpu.memory_space<vmem>>)
      %dma_wait3A_376 = arith.constant 1 : i32
      %dma_wait3A_377 = arith.constant 1 : i32
      %dma_wait3A_378 = arith.constant 0 : i32
      %dma_wait3A_379 = arith.constant 0 : i32
      %dma_wait3A_380 = tpu.memref_slice %arg8[%dma_wait3A_377, %dma_wait3A_378, %dma_wait3A_379] : memref<4x200x64xf32, #tpu.memory_space<vmem>> -> memref<1x128x64xf32, #tpu.memory_space<vmem>>
      %dma_wait3A_381 = tpu.memref_squeeze %dma_wait3A_380 : memref<1x128x64xf32, #tpu.memory_space<vmem>> -> memref<128x64xf32, #tpu.memory_space<vmem>>
      %dma_wait3A_382 = arith.constant 0 : i32
      %dma_wait3A_383 = tpu.memref_slice %arg6[%dma_wait3A_376, %dma_wait3A_382] : memref<4x200xi32, #tpu.memory_space<vmem>> -> memref<1x128xi32, #tpu.memory_space<vmem>>
      %dma_wait3A_384 = tpu.memref_squeeze %dma_wait3A_383 : memref<1x128xi32, #tpu.memory_space<vmem>> -> memref<128xi32, #tpu.memory_space<vmem>>
      %dma_wait3A_385 = arith.constant 0 : i32
      %dma_wait3A_386 = arith.constant 0 : i32
      %dma_wait3A_387 = tpu.memref_slice %arg3[%dma_wait3A_385, %dma_wait3A_386] : memref<1000000x64xf32, #tpu.memory_space<hbm>> -> memref<1000000x64xf32, #tpu.memory_space<hbm>>
      tpu.wait_indirect_dma semaphore(%arg10 : memref<!tpu.dma_semaphore, #tpu.memory_space<semaphore_mem>>) src(%dma_wait3A_387 : memref<1000000x64xf32, #tpu.memory_space<hbm>>) dst(%dma_wait3A_381 : memref<128x64xf32, #tpu.memory_space<vmem>>)
      %dma_wait3A_388 = arith.constant 1 : i32
      %dma_wait3A_389 = arith.constant 1 : i32
      %dma_wait3A_390 = arith.constant 128 : i32
      %dma_wait3A_391 = arith.constant 0 : i32
      %dma_wait3A_392 = tpu.memref_slice %arg8[%dma_wait3A_389, %dma_wait3A_390, %dma_wait3A_391] : memref<4x200x64xf32, #tpu.memory_space<vmem>> -> memref<1x72x64xf32, #tpu.memory_space<vmem>>
      %dma_wait3A_393 = tpu.memref_squeeze %dma_wait3A_392 : memref<1x72x64xf32, #tpu.memory_space<vmem>> -> memref<72x64xf32, #tpu.memory_space<vmem>>
      %dma_wait3A_394 = arith.constant 128 : i32
      %dma_wait3A_395 = tpu.memref_slice %arg6[%dma_wait3A_388, %dma_wait3A_394] : memref<4x200xi32, #tpu.memory_space<vmem>> -> memref<1x72xi32, #tpu.memory_space<vmem>>
      %dma_wait3A_396 = tpu.memref_squeeze %dma_wait3A_395 : memref<1x72xi32, #tpu.memory_space<vmem>> -> memref<72xi32, #tpu.memory_space<vmem>>
      %dma_wait3A_397 = arith.constant 0 : i32
      %dma_wait3A_398 = arith.constant 0 : i32
      %dma_wait3A_399 = tpu.memref_slice %arg3[%dma_wait3A_397, %dma_wait3A_398] : memref<1000000x64xf32, #tpu.memory_space<hbm>> -> memref<1000000x64xf32, #tpu.memory_space<hbm>>
      tpu.wait_indirect_dma semaphore(%arg10 : memref<!tpu.dma_semaphore, #tpu.memory_space<semaphore_mem>>) src(%dma_wait3A_399 : memref<1000000x64xf32, #tpu.memory_space<hbm>>) dst(%dma_wait3A_393 : memref<72x64xf32, #tpu.memory_space<vmem>>)
      %dma_wait3A_400 = arith.constant 2 : i32
      %dma_wait3A_401 = arith.constant 2 : i32
      %dma_wait3A_402 = arith.constant 0 : i32
      %dma_wait3A_403 = arith.constant 0 : i32
      %dma_wait3A_404 = tpu.memref_slice %arg8[%dma_wait3A_401, %dma_wait3A_402, %dma_wait3A_403] : memref<4x200x64xf32, #tpu.memory_space<vmem>> -> memref<1x128x64xf32, #tpu.memory_space<vmem>>
      %dma_wait3A_405 = tpu.memref_squeeze %dma_wait3A_404 : memref<1x128x64xf32, #tpu.memory_space<vmem>> -> memref<128x64xf32, #tpu.memory_space<vmem>>
      %dma_wait3A_406 = arith.constant 0 : i32
      %dma_wait3A_407 = tpu.memref_slice %arg6[%dma_wait3A_400, %dma_wait3A_406] : memref<4x200xi32, #tpu.memory_space<vmem>> -> memref<1x128xi32, #tpu.memory_space<vmem>>
      %dma_wait3A_408 = tpu.memref_squeeze %dma_wait3A_407 : memref<1x128xi32, #tpu.memory_space<vmem>> -> memref<128xi32, #tpu.memory_space<vmem>>
      %dma_wait3A_409 = arith.constant 0 : i32
      %dma_wait3A_410 = arith.constant 0 : i32
      %dma_wait3A_411 = tpu.memref_slice %arg3[%dma_wait3A_409, %dma_wait3A_410] : memref<1000000x64xf32, #tpu.memory_space<hbm>> -> memref<1000000x64xf32, #tpu.memory_space<hbm>>
      tpu.wait_indirect_dma semaphore(%arg10 : memref<!tpu.dma_semaphore, #tpu.memory_space<semaphore_mem>>) src(%dma_wait3A_411 : memref<1000000x64xf32, #tpu.memory_space<hbm>>) dst(%dma_wait3A_405 : memref<128x64xf32, #tpu.memory_space<vmem>>)
      %dma_wait3A_412 = arith.constant 2 : i32
      %dma_wait3A_413 = arith.constant 2 : i32
      %dma_wait3A_414 = arith.constant 128 : i32
      %dma_wait3A_415 = arith.constant 0 : i32
      %dma_wait3A_416 = tpu.memref_slice %arg8[%dma_wait3A_413, %dma_wait3A_414, %dma_wait3A_415] : memref<4x200x64xf32, #tpu.memory_space<vmem>> -> memref<1x72x64xf32, #tpu.memory_space<vmem>>
      %dma_wait3A_417 = tpu.memref_squeeze %dma_wait3A_416 : memref<1x72x64xf32, #tpu.memory_space<vmem>> -> memref<72x64xf32, #tpu.memory_space<vmem>>
      %dma_wait3A_418 = arith.constant 128 : i32
      %dma_wait3A_419 = tpu.memref_slice %arg6[%dma_wait3A_412, %dma_wait3A_418] : memref<4x200xi32, #tpu.memory_space<vmem>> -> memref<1x72xi32, #tpu.memory_space<vmem>>
      %dma_wait3A_420 = tpu.memref_squeeze %dma_wait3A_419 : memref<1x72xi32, #tpu.memory_space<vmem>> -> memref<72xi32, #tpu.memory_space<vmem>>
      %dma_wait3A_421 = arith.constant 0 : i32
      %dma_wait3A_422 = arith.constant 0 : i32
      %dma_wait3A_423 = tpu.memref_slice %arg3[%dma_wait3A_421, %dma_wait3A_422] : memref<1000000x64xf32, #tpu.memory_space<hbm>> -> memref<1000000x64xf32, #tpu.memory_space<hbm>>
      tpu.wait_indirect_dma semaphore(%arg10 : memref<!tpu.dma_semaphore, #tpu.memory_space<semaphore_mem>>) src(%dma_wait3A_423 : memref<1000000x64xf32, #tpu.memory_space<hbm>>) dst(%dma_wait3A_417 : memref<72x64xf32, #tpu.memory_space<vmem>>)
      %dma_wait3A_424 = arith.constant 3 : i32
      %dma_wait3A_425 = arith.constant 3 : i32
      %dma_wait3A_426 = arith.constant 0 : i32
      %dma_wait3A_427 = arith.constant 0 : i32
      %dma_wait3A_428 = tpu.memref_slice %arg8[%dma_wait3A_425, %dma_wait3A_426, %dma_wait3A_427] : memref<4x200x64xf32, #tpu.memory_space<vmem>> -> memref<1x128x64xf32, #tpu.memory_space<vmem>>
      %dma_wait3A_429 = tpu.memref_squeeze %dma_wait3A_428 : memref<1x128x64xf32, #tpu.memory_space<vmem>> -> memref<128x64xf32, #tpu.memory_space<vmem>>
      %dma_wait3A_430 = arith.constant 0 : i32
      %dma_wait3A_431 = tpu.memref_slice %arg6[%dma_wait3A_424, %dma_wait3A_430] : memref<4x200xi32, #tpu.memory_space<vmem>> -> memref<1x128xi32, #tpu.memory_space<vmem>>
      %dma_wait3A_432 = tpu.memref_squeeze %dma_wait3A_431 : memref<1x128xi32, #tpu.memory_space<vmem>> -> memref<128xi32, #tpu.memory_space<vmem>>
      %dma_wait3A_433 = arith.constant 0 : i32
      %dma_wait3A_434 = arith.constant 0 : i32
      %dma_wait3A_435 = tpu.memref_slice %arg3[%dma_wait3A_433, %dma_wait3A_434] : memref<1000000x64xf32, #tpu.memory_space<hbm>> -> memref<1000000x64xf32, #tpu.memory_space<hbm>>
      tpu.wait_indirect_dma semaphore(%arg10 : memref<!tpu.dma_semaphore, #tpu.memory_space<semaphore_mem>>) src(%dma_wait3A_435 : memref<1000000x64xf32, #tpu.memory_space<hbm>>) dst(%dma_wait3A_429 : memref<128x64xf32, #tpu.memory_space<vmem>>)
      %dma_wait3A_436 = arith.constant 3 : i32
      %dma_wait3A_437 = arith.constant 3 : i32
      %dma_wait3A_438 = arith.constant 128 : i32
      %dma_wait3A_439 = arith.constant 0 : i32
      %dma_wait3A_440 = tpu.memref_slice %arg8[%dma_wait3A_437, %dma_wait3A_438, %dma_wait3A_439] : memref<4x200x64xf32, #tpu.memory_space<vmem>> -> memref<1x72x64xf32, #tpu.memory_space<vmem>>
      %dma_wait3A_441 = tpu.memref_squeeze %dma_wait3A_440 : memref<1x72x64xf32, #tpu.memory_space<vmem>> -> memref<72x64xf32, #tpu.memory_space<vmem>>
      %dma_wait3A_442 = arith.constant 128 : i32
      %dma_wait3A_443 = tpu.memref_slice %arg6[%dma_wait3A_436, %dma_wait3A_442] : memref<4x200xi32, #tpu.memory_space<vmem>> -> memref<1x72xi32, #tpu.memory_space<vmem>>
      %dma_wait3A_444 = tpu.memref_squeeze %dma_wait3A_443 : memref<1x72xi32, #tpu.memory_space<vmem>> -> memref<72xi32, #tpu.memory_space<vmem>>
      %dma_wait3A_445 = arith.constant 0 : i32
      %dma_wait3A_446 = arith.constant 0 : i32
      %dma_wait3A_447 = tpu.memref_slice %arg3[%dma_wait3A_445, %dma_wait3A_446] : memref<1000000x64xf32, #tpu.memory_space<hbm>> -> memref<1000000x64xf32, #tpu.memory_space<hbm>>
      tpu.wait_indirect_dma semaphore(%arg10 : memref<!tpu.dma_semaphore, #tpu.memory_space<semaphore_mem>>) src(%dma_wait3A_447 : memref<1000000x64xf32, #tpu.memory_space<hbm>>) dst(%dma_wait3A_441 : memref<72x64xf32, #tpu.memory_space<vmem>>)
      %dma_start3A_448 = arith.constant 0 : i32
      %dma_start3A_449 = arith.constant 0 : i32
      %dma_start3A_450 = tpu.memref_slice %arg4[%add3A_351, %dma_start3A_448, %dma_start3A_449] : memref<4096x200x64xf32, #tpu.memory_space<hbm>> -> memref<4x200x64xf32, #tpu.memory_space<hbm>>
      %dma_start3A_451 = arith.constant 0 : i32
      %dma_start3A_452 = arith.constant 0 : i32
      %dma_start3A_453 = tpu.memref_slice %arg4[%add3A_351, %dma_start3A_451, %dma_start3A_452] : memref<4096x200x64xf32, #tpu.memory_space<hbm>> -> memref<4x200x64xf32, #tpu.memory_space<hbm>>
      tpu.enqueue_dma source(%arg8 : memref<4x200x64xf32, #tpu.memory_space<vmem>>) target(%dma_start3A_453 : memref<4x200x64xf32, #tpu.memory_space<hbm>>) target_semaphore(%arg12 : memref<!tpu.dma_semaphore, #tpu.memory_space<semaphore_mem>>)
    }
    %scan3A_7 = arith.constant 16 : i32
    %add3A_8 = arith.constant 120 : i32
    %add3A_9 = arith.addi %mul3A_2, %add3A_8 : i32
    %dma_wait3A = arith.constant 0 : i32
    %dma_wait3A_10 = arith.constant 0 : i32
    %dma_wait3A_11 = tpu.memref_slice %arg4[%add3A_9, %dma_wait3A, %dma_wait3A_10] : memref<4096x200x64xf32, #tpu.memory_space<hbm>> -> memref<4x200x64xf32, #tpu.memory_space<hbm>>
    %dma_wait3A_12 = arith.constant 0 : i32
    %dma_wait3A_13 = arith.constant 0 : i32
    %dma_wait3A_14 = tpu.memref_slice %arg4[%add3A_9, %dma_wait3A_12, %dma_wait3A_13] : memref<4096x200x64xf32, #tpu.memory_space<hbm>> -> memref<4x200x64xf32, #tpu.memory_space<hbm>>
    tpu.wait_dma2 semaphore(%arg11 : memref<!tpu.dma_semaphore, #tpu.memory_space<semaphore_mem>>) src(%arg7 : memref<4x200x64xf32, #tpu.memory_space<vmem>>) dst(%dma_wait3A_14 : memref<4x200x64xf32, #tpu.memory_space<hbm>>)
    %add3A_15 = arith.constant 124 : i32
    %add3A_16 = arith.addi %mul3A_2, %add3A_15 : i32
    %dma_wait3A_17 = arith.constant 0 : i32
    %dma_wait3A_18 = arith.constant 0 : i32
    %dma_wait3A_19 = tpu.memref_slice %arg4[%add3A_16, %dma_wait3A_17, %dma_wait3A_18] : memref<4096x200x64xf32, #tpu.memory_space<hbm>> -> memref<4x200x64xf32, #tpu.memory_space<hbm>>
    %dma_wait3A_20 = arith.constant 0 : i32
    %dma_wait3A_21 = arith.constant 0 : i32
    %dma_wait3A_22 = tpu.memref_slice %arg4[%add3A_16, %dma_wait3A_20, %dma_wait3A_21] : memref<4096x200x64xf32, #tpu.memory_space<hbm>> -> memref<4x200x64xf32, #tpu.memory_space<hbm>>
    tpu.wait_dma2 semaphore(%arg12 : memref<!tpu.dma_semaphore, #tpu.memory_space<semaphore_mem>>) src(%arg8 : memref<4x200x64xf32, #tpu.memory_space<vmem>>) dst(%dma_wait3A_22 : memref<4x200x64xf32, #tpu.memory_space<hbm>>)
    return
  }
}

</mosaic_0001>

<sc_bundles>
// kernel: kernel.3.cloned.1.call-start
scs
__scs_entry_jumppad:
0x0: {  	(pc) =	sbr.rel $0x88, $3  }
0x1: {  	(tag) =	ssettag $0x0;
	lr =	simm.s32 $0x1  }
0x2: {  	[smem:$0x3F9F] =	sst lr;
	_ =	strace $0xD0000000  }
0x3: {  	_ = 	snop  }
0x4: {  	_ = 	snop  }
0x5: {  	_ = 	snop  }
0x6: {  	_ = 	snop  }
0x7: {  	_ = 	snop  }
__scs_overlays_trampoline_lowered:
0x8: {  	[smem:$0x3FAE] =	sst s0  }
0x9: {  	[smem:$0x3FAF] =	sst s1  }
0xa: {  	[smem:$0x3FB0] =	sst s2  }
0xb: {  	[smem:$0x3FB1] =	sst s3  }
0xc: {  	[smem:$0x3FB2] =	sst s4  }
0xd: {  	[smem:$0x3FB3] =	sst s5  }
0xe: {  	[smem:$0x3FB4] =	sst s6  }
0xf: {  	[smem:$0x3FB5] =	sst s7  }
0x10: {  	[smem:$0x3FB6] =	sst s8  }
0x11: {  	[smem:$0x3FB7] =	sst s9;
	s0 =	simm.s32 @!p0 $0x0  }
0x12: {  	s1 =	sld [smem:$0x3F9D];
	s0 =	simm.s32 @p0 $0x1  }
0x13: {  	[smem:$0x3FB8] =	sst s0;
	s0 =	simm.s32 @!p1 $0x0  }
0x14: {  	s2 =	sld [smem:$0x3F9C];
	s0 =	simm.s32 @p1 $0x1  }
0x15: {  	[smem:$0x3FB9] =	sst s0;
	s0 =	simm.s32 @!p2 $0x0  }
0x16: {  	s3 =	sld [smem:$0x3FDB];
	s0 =	simm.s32 @p2 $0x1  }
0x17: {  	s4 =	simm.s32 $0x1BF5;
	[smem:$0x3FBB] =	sst s0  }
0x18: {  	s0 =	sld [smem:$0x3F9E];
	_ =	swait.ge [sflag:s4], $0x0  }
0x19: {  	s7 =	sld [smem:$0x3F9F]  }
0x1a: {  	s8 =	sadd.s32 $0xFFFFE003, lr  }
0x1b: {  	s9 =	sadd.s32 $0xFFFFFEF7, lr;
	s5 =	simm.s32 $0xFFFFFFFF;
	p2 =	slt.u32 s8, $0xFFFFF086  }
0x1c: {  	p1 =	slt.u32 s9, $0xF7A;
	s5 =	simm.s32 @!p2 $0x0  }
0x1d: {  	s5 =	simm.s32 @p1 $0x1;
	p0 =	seq.s32 s7, s2  }
0x1e: {  	s7 =	smul.u32 @!p0 $0xF7A, s2;
	p2 =	seq.s32 @!p0 s5, $0x0  }
0x1f: {  	s9 =	smul.u32 $0xF7A, s1;
	s8 =	simm.s32 @!p0 $0x1BF5;
	p2 =	por !p2, p0  }
0x20: {  	[sflag:s8] =	ssyncset.s32 @!p0 $0xFFFFF086;
	s6 =	sadd.s32 @!p0 s3, s7;
	s7 =	simm.s32 @!p0 $0x108  }
0x21: {  	s3 =	sadd.s32 s3, s9;
	s6 =	sadd.s32 @!p0 $0x88, s6;
	s7 =	simm.s32 @p2 $0x1082  }
0x22: {  	[simem:s7], [sflag:s8] =	dma.local @!p0 [hbm:s6], $0xF7A  }
0x23: {  	s9 =	sor.u32 $0xD0000000, s2;
	s6 =	simm.s32 $0x108;
	_ =	swait.ge @!p0 [sflag:s8], $0x0  }
0x24: {  	s3 =	sadd.s32 $0x88, s3;
	s6 =	simm.s32 @!p1 $0x1082;
	[sflag:s4] =	ssyncset.s32 $0xFFFFF086  }
0x25: {  	[simem:s6], [sflag:s4] =	dma.local [hbm:s3], $0xF7A  }
0x26: {  	[smem:$0x3F9F] =	sst s1;
	(tag) =	ssettag s2;
	_ =	strace s9  }
0x27: {  	s1 =	sld [smem:$0x3FAF]  }
0x28: {  	s2 =	sld [smem:$0x3FB0]  }
0x29: {  	s4 =	sld [smem:$0x3FB2]  }
0x2a: {  	p0 =	seq.s32 s5, $0x0;
	s5 =	sld [smem:$0x3FB3]  }
0x2b: {  	s6 =	sld [smem:$0x3FB4]  }
0x2c: {  	s7 =	sld [smem:$0x3FB5]  }
0x2d: {  	s3 =	simm.s32 $0x108;
	s8 =	sld [smem:$0x3FB6]  }
0x2e: {  	s3 =	simm.s32 @!p0 $0x1082;
	s9 =	sld [smem:$0x3FB7]  }
0x2f: {  	lr =	sadd.s32 s0, s3;
	s0 =	sld [smem:$0x3FAE]  }
0x30: {  	s3 =	sld [smem:$0x3FB1]  }
0x31: {  	[smem:$0x3FBA] =	sst s10  }
0x32: {  	s10 =	sld [smem:$0x3FB8];
	_ =	sdelay $0x3  }
0x33: {  	p0 =	seq.s32 s10, $0x1;
	s10 =	sld [smem:$0x3FBA];
	_ =	sdelay $0x3  }
0x34: {  	[smem:$0x3FBA] =	sst s10  }
0x35: {  	s10 =	sld [smem:$0x3FB9];
	_ =	sdelay $0x3  }
0x36: {  	p1 =	seq.s32 s10, $0x1;
	s10 =	sld [smem:$0x3FBA];
	_ =	sdelay $0x3  }
0x37: {  	[smem:$0x3FBA] =	sst s10  }
0x38: {  	s10 =	sld [smem:$0x3FBB]  }
0x39: {  	_ = 	snop;
	(pc) =	sbr.ind lr, $3  }
0x3a: {  	_ = 	snop  }
0x3b: {  	_ = 	snop  }
0x3c: {  	p2 =	seq.s32 s10, $0x1;
	s10 =	sld [smem:$0x3FBA]  }
0x3d: {  	_ =	shalt  }
0x3e: {  	_ =	shalt  }
0x3f: {  	_ =	shalt  }
0x40: {  	_ =	shalt  }
0x41: {  	_ =	shalt  }
0x42: {  	_ =	shalt  }
0x43: {  	_ =	shalt  }
0x44: {  	_ =	shalt  }
0x45: {  	_ =	shalt  }
0x46: {  	_ =	shalt  }
0x47: {  	_ =	shalt  }
0x48: {  	_ =	shalt  }
0x49: {  	_ =	shalt  }
0x4a: {  	_ =	shalt  }
0x4b: {  	_ =	shalt  }
0x4c: {  	_ =	shalt  }
0x4d: {  	_ =	shalt  }
0x4e: {  	_ =	shalt  }
0x4f: {  	_ =	shalt  }
0x50: {  	_ =	shalt  }
0x51: {  	_ =	shalt  }
0x52: {  	_ =	shalt  }
0x53: {  	_ =	shalt  }
0x54: {  	_ =	shalt  }
0x55: {  	_ =	shalt  }
0x56: {  	_ =	shalt  }
0x57: {  	_ =	shalt  }
0x58: {  	_ =	shalt  }
0x59: {  	_ =	shalt  }
0x5a: {  	_ =	shalt  }
0x5b: {  	_ =	shalt  }
0x5c: {  	_ =	shalt  }
0x5d: {  	_ =	shalt  }
0x5e: {  	_ =	shalt  }
0x5f: {  	_ =	shalt  }
0x60: {  	_ =	shalt  }
0x61: {  	_ =	shalt  }
0x62: {  	_ =	shalt  }
0x63: {  	_ =	shalt  }
0x64: {  	_ =	shalt  }
0x65: {  	_ =	shalt  }
0x66: {  	_ =	shalt  }
0x67: {  	_ =	shalt  }
0x68: {  	_ =	shalt  }
0x69: {  	_ =	shalt  }
0x6a: {  	_ =	shalt  }
0x6b: {  	_ =	shalt  }
0x6c: {  	_ =	shalt  }
0x6d: {  	_ =	shalt  }
0x6e: {  	_ =	shalt  }
0x6f: {  	_ =	shalt  }
0x70: {  	_ =	shalt  }
0x71: {  	_ =	shalt  }
0x72: {  	_ =	shalt  }
0x73: {  	_ =	shalt  }
0x74: {  	_ =	shalt  }
0x75: {  	_ =	shalt  }
0x76: {  	_ =	shalt  }
0x77: {  	_ =	shalt  }
0x78: {  	_ =	shalt  }
0x79: {  	_ =	shalt  }
0x7a: {  	_ =	shalt  }
0x7b: {  	_ =	shalt  }
0x7c: {  	_ =	shalt  }
0x7d: {  	_ =	shalt  }
0x7e: {  	_ =	shalt  }
0x7f: {  	_ =	shalt  }
0x80: {  	_ =	shalt  }
0x81: {  	_ =	shalt  }
0x82: {  	_ =	shalt  }
0x83: {  	_ =	shalt  }
0x84: {  	_ =	shalt  }
0x85: {  	_ =	shalt  }
0x86: {  	_ =	shalt  }
0x87: {  	_ =	shalt  }
.Lfunc_end0:
.L_simem_size_0:
called_computation.1_lowered:
.L_overlay_start_0:
0x88: {  	s2 =	sld [smem:$0x3FD9]  }
0x89: {  	s3 =	sld [smem:$0x3FFE];
	_ =	sdelay $0x1  }
0x8a: {  	s1 =	srdreg.scid  }
0x8b: {  	s0 =	sand.u32 $0x1, s1  }
0x8c: {  	s17 =	sshll.u32 s0, $0xA;
	s2 =	sadd.s32 s3, s2  }
0x8d: {  	s2 =	sadd.s32 s2, s17  }
0x8e: {  	[smem:$0x3FC6] =	sst s2  }
0x8f: {  	_ = 	snop  }
0x90: {  	s2 =	sld [smem:$0x3FD0];
	(tm) =	ssettm $0x1  }
0x91: {  	s18 =	sld [smem:$0x3FFB];
	_ =	sdelay $0x3  }
0x92: {  	_ =	strace s18  }
0x93: {  	s3 =	sld [smem:$0x3FFC];
	_ =	sdelay $0x3  }
0x94: {  	_ =	strace s3  }
0x95: {  	s3 =	sld [smem:$0x3FFD];
	_ =	sdelay $0x3  }
0x96: {  	_ =	strace s3  }
0x97: {  	_ =	strace $0x8FFFFFFF  }
0x98: {  	s19 =	sld [smem:$0x3FDB];
	_ =	sdelay $0x1  }
0x99: {  	s4 =	simm.s32 $_scs_section_size  }
0x9a: {  	s5 =	simm.s32 $_size__tile_overlayer_lowered;
	s6 =	simm.s32 $_tile_overlayer_lowered  }
0x9b: {  	s22 =	simm.s32 $0x1BFF;
	s21 =	sshll.u32 s6, $0x1;
	s3 =	sadd.s32 s4, s19  }
0x9c: {  	s7 =	simm.s32 $0x0;
	s20 =	sshll.u32 s5, $0x1;
	s5 =	sadd.s32 s21, s3  }
0x9d: {  	[timem:s7], [sflag:s22] =	dma.local [hbm:s5], s20  }
0x9e: {  	_ =	swait.ge [sflag:s22], s20  }
0x9f: {  	s4 =	ssub.s32 $0x0, s20;
	[sflag:s22] =	ssyncset.done $0x0  }
0xa0: {  	[sflag:s22] =	ssyncadd.s32 s4;
	_ =	sdelay $0x1  }
0xa1: {  	s23 =	simm.s32 $0x1B8B  }
0xa2: {  	_ =	swait.ge [sflag:s23], $0x1  }
0xa3: {  	[sflag:s23] =	ssyncset.done $0x0  }
0xa4: {  	s25 =	simm.s32 $0x1B8E;
	s24 =	sld [smem:$0x3FFE];
	[sflag:s23] =	ssyncadd.s32 $0xFFFFFFFF  }
0xa5: {  	s26 =	simm.s32 $execute0_lowered;
	[smem:$0x3FD2] =	sst s25  }
0xa6: {  	s5 =	sshll.u32 s26, $0x1;
	_ =	strace $0x80000046;
	[dreg:$0x1] =	wrdreg $0xFFFFFFFF  }
0xa7: {  	s28 =	simm.s32 $_size_execute0_lowered;
	s3 =	sadd.s32 s3, s5;
	[dreg:$0x0] =	wrdreg $0x0  }
0xa8: {  	s5 =	sshll.u32 s28, $0x1;
	[dreg:$0x2] =	wrdreg s3  }
0xa9: {  	[dreg:$0x3] =	wrdreg s5  }
0xaa: {  	[dreg:$0x4] =	wrdreg $0xC0  }
0xab: {  	_ =	task [dreg:s7], $0x5FFFF  }
0xac: {  	[dreg:$0x1] =	wrdreg $0xFFFFFFFF  }
0xad: {  	[dreg:$0x0] =	wrdreg $0x60  }
0xae: {  	[dreg:$0x2] =	wrdreg s24  }
0xaf: {  	[dreg:$0x3] =	wrdreg s2  }
0xb0: {  	[dreg:$0x4] =	wrdreg $0x9  }
0xb1: {  	_ =	task.clear_ibuf [dreg:s7], $0x5FFFF;
	_ =	strace $0x90000046  }
0xb2: {  	s29 =	simm.s32 $0x9;
	_ =	strace $0x80000048  }
0xb3: {  	_ =	swait.ge [sflag:s29], $0x1  }
0xb4: {  	[sflag:s29] =	ssyncadd.s32 $0xFFFFFFFF  }
0xb5: {  	_ =	strace $0x90000048  }
0xb6: {  	_ =	sfence  }
0xb7: {  	s30 =	sld [smem:$0x0];
	_ =	sdelay $0x2  }
0xb8: {  	s31 =	sshll.u32 s1, $0xD;
	s1 =	sshrl.u32 s1, $0x2  }
0xb9: {  	s3 =	sand.u32 $0x4000, s31;
	s1 =	sadd.s32 s1, s30  }
0xba: {  	s0 =	sor.u32 s3, s0;
	s1 =	sshll.u32 s1, $0x11  }
0xbb: {  	s0 =	sor.u32 s1, s0  }
0xbc: {  	s0 =	sadd.s32 $0x8F2B, s0  }
0xbd: {  	[sflag:s0] =	ssyncadd.remote.s32 $0x1  }
0xbe: {  	_ =	sfence.sel $0xFFFF  }
0xbf: {  	[dreg:$0x0] =	wrdreg $0xFFFFFFFF;
	(pc) =	sbr.abs _section_cstart, $3  }
0xc0: {  	[dreg:$0x1] =	wrdreg $0xFFFFFFFF  }
0xc1: {  	_ =	task.clear_ibuf [dreg:s7], $0x2FFFF;
	_ =	strace $0x9FFFFFFF  }
0xc2: {  	(tm) =	ssettm $0x7FFFFFFF  }
0xc3: {  	_ =	shalt  }
tec
execute0_lowered:
.L_overlay_start_1:
0x0: {  	(tag) =	ssettag $0x1  }
0x1: {  	s1 =	rddreg [dreg:$0x0]  }
0x2: {  	s7 =	stileid.u32;
	s5 =	rddreg [dreg:$0x1];
	s2 =	simm.s32 $0x0  }
0x3: {  	s0 =	srdreg.scid;
	s15 =	simm.s32 $0x2640;
	[smem:$0x7FF] =	sst s2  }
0x4: {  	s17 =	simm.s32 $0xC8;
	_ =	strace $0x80000047;
	[dreg:$0x4] =	wrdreg s15  }
0x5: {  	s18 =	simm.s32 $0x3840;
	s19 =	simm.s32 $0x148;
	[dreg:$0x5] =	wrdreg s17  }
0x6: {  	s20 =	simm.s32 $0x5840;
	s22 =	simm.s32 $0x190;
	[dreg:$0x6] =	wrdreg s18  }
0x7: {  	s23 =	simm.s32 $0x6A40;
	s24 =	simm.s32 $0x210;
	[dreg:$0x7] =	wrdreg s19  }
0x8: {  	s25 =	simm.s32 $0x8A40;
	s26 =	simm.s32 $0x258;
	[dreg:$0x8] =	wrdreg s20  }
0x9: {  	s28 =	simm.s32 $0x9C40;
	s29 =	simm.s32 $0x2D8;
	[dreg:$0x9] =	wrdreg s22  }
0xa: {  	s8 =	simm.s32 $0x640;
	s30 =	simm.s32 $0xBC40;
	[dreg:$0xa] =	wrdreg s23  }
0xb: {  	s9 =	simm.s32 $0x48;
	s31 =	simm.s32 $0x3A0;
	[dreg:$0xb] =	wrdreg s24  }
0xc: {  	s10 =	simm.s32 $0x320;
	s11 =	simm.s32 $0xCE40;
	[dreg:$0xc] =	wrdreg s25  }
0xd: {  	s12 =	simm.s32 $0xEE40;
	s13 =	simm.s32 $0x3E8;
	[dreg:$0xd] =	wrdreg s26  }
0xe: {  	s14 =	simm.s32 $0x10040;
	s3 =	smul.u32 $0x1900, s7;
	[dreg:$0xe] =	wrdreg s28  }
0xf: {  	s0 =	sand.u32 $0x1, s0;
	s21 =	smul.u32 $0x64000, s7;
	[dreg:$0xf] =	wrdreg s29  }
0x10: {  	s7 =	simm.s32 $0x80;
	s4 =	smul.u32 $0xC80, s0;
	[dreg:$0x10] =	wrdreg s30  }
0x11: {  	s16 =	ssub.s32 $0x2, s0;
	s0 =	smul.u32 $0x32000, s0;
	[dreg:$0x11] =	wrdreg s31  }
0x12: {  	s15 =	simm.s32 $0x468;
	s17 =	simm.s32 $0x4B0;
	s18 =	simm.s32 $0x13240  }
0x13: {  	s19 =	simm.s32 $0x530;
	s20 =	simm.s32 $0x15240;
	s22 =	simm.s32 $0x16440  }
0x14: {  	s23 =	simm.s32 $0x5F8;
	s24 =	simm.s32 $0x18440;
	s25 =	simm.s32 $0x1  }
0x15: {  	s26 =	simm.s32 $0x2;
	s3 =	sadd.s32 s3, s1;
	s6 =	sshrl.u32 s16, $0x1  }
0x16: {  	s5 =	sadd.s32 s21, s5;
	s21 =	simm.s32 $0x578;
	s3 =	sadd.s32 s4, s3  }
0x17: {  	s0 =	sadd.s32 s0, s5;
	s4 =	sadd.s32 $0xA00, s3;
	s3 =	sadd.s32 $0xF42E00, s1  }
0x18: {  	s0 =	sadd.s32 $0x1900, s0;
	[dreg:$0x3] =	wrdreg s4;
	s4 =	ssub.s32 s16, s6  }
0x19: {  	[dreg:$0x13] =	wrdreg s0;
	s6 =	simm.s32 $0x5;
	s4 =	smax.u32 s4, $0x1  }
0x1a: {  	s16 =	simm.s32 $0x12040;
	[dreg:$0x12] =	wrdreg s4;
	s4 =	simm.s32 $0x0  }
.LBB2_1:
0x1b: {  	p0 =	por $0x1, $0x1  }
0x1c: {  	[dreg:$0x14] =	wrdreg s4;
	s1 =	simm.s32 @!p0 $0x3  }
0x1d: {  	_ =	swait.ge @!p0 [sflag:s1], $0xC800  }
0x1e: {  	s5 =	rddreg [dreg:$0x3];
	[sflag:s1] =	ssyncset.done @!p0 $0x0  }
0x1f: {  	[sflag:s1] =	ssyncadd.s32 @!p0 $0xFFFF3800;
	s1 =	sadd.s32 $0x0, s5  }
0x20: {  	[tilespmem:s2], [sflag:$0x5] =	stream.linear.gather [hbm4b:s1+s2], $0x320, $0x38;
	[tilespmem:$0x19640] =	vst v63  }
0x21: {  	_ =	swait.ge [sflag:s6], $0x320  }
0x22: {  	s30 =	rddreg [dreg:$0x5]  }
0x23: {  	s31 =	rddreg [dreg:$0x4]  }
0x24: {  	[sflag:s6] =	ssyncset.done $0x0;
	s0 =	rddreg [dreg:$0x6]  }
0x25: {  	s28 =	rddreg [dreg:$0x8];
	[sflag:s6] =	ssyncadd.s32 $0xFFFFFCE0  }
0x26: {  	[tilespmem:s8], [sflag:$0x1] =	stream.indirect.gather [hbm4b:s3+s7], $0x40, s2, s7, $0xb8;
	[tilespmem:$0x19640] =	vst v63  }
0x27: {  	s29 =	rddreg [dreg:$0xa]  }
0x28: {  	[tilespmem:s31], [sflag:$0x1] =	stream.indirect.gather [hbm4b:s3+s9], $0x40, s7, s9, $0xb8;
	[tilespmem:$0x19640] =	vst v63  }
0x29: {  	s31 =	rddreg [dreg:$0x7]  }
0x2a: {  	[tilespmem:s0], [sflag:$0x1] =	stream.indirect.gather [hbm4b:s3+s7], $0x40, s30, s7, $0xb8;
	[tilespmem:$0x19640] =	vst v63  }
0x2b: {  	s30 =	rddreg [dreg:$0x9]  }
0x2c: {  	s0 =	rddreg [dreg:$0xc]  }
0x2d: {  	[tilespmem:s28], [sflag:$0x1] =	stream.indirect.gather [hbm4b:s3+s9], $0x40, s31, s9, $0xb8;
	[tilespmem:$0x19640] =	vst v63  }
0x2e: {  	s31 =	rddreg [dreg:$0xb]  }
0x2f: {  	[tilespmem:s29], [sflag:$0x1] =	stream.indirect.gather [hbm4b:s3+s7], $0x40, s30, s7, $0xb8;
	[tilespmem:$0x19640] =	vst v63  }
0x30: {  	s29 =	rddreg [dreg:$0xe]  }
0x31: {  	s30 =	rddreg [dreg:$0xd]  }
0x32: {  	[tilespmem:s0], [sflag:$0x1] =	stream.indirect.gather [hbm4b:s3+s9], $0x40, s31, s9, $0xb8;
	[tilespmem:$0x19640] =	vst v63  }
0x33: {  	s0 =	rddreg [dreg:$0x10]  }
0x34: {  	[tilespmem:s29], [sflag:$0x1] =	stream.indirect.gather [hbm4b:s3+s7], $0x40, s30, s7, $0xb8;
	[tilespmem:$0x19640] =	vst v63  }
0x35: {  	s4 =	simm.s32 @!p0 $0x4;
	s31 =	rddreg [dreg:$0xf]  }
0x36: {  	[tilespmem:s0], [sflag:$0x1] =	stream.indirect.gather [hbm4b:s3+s9], $0x40, s31, s9, $0xb8;
	[tilespmem:$0x19640] =	vst v63  }
0x37: {  	_ =	swait.ge @!p0 [sflag:s4], $0xC800  }
0x38: {  	[sflag:s4] =	ssyncset.done @!p0 $0x0  }
0x39: {  	s1 =	sadd.s32 $0x64, s1;
	[sflag:s4] =	ssyncadd.s32 @!p0 $0xFFFF3800  }
0x3a: {  	[tilespmem:s10], [sflag:$0x5] =	stream.linear.gather [hbm4b:s1+s2], $0x320, $0x38;
	[tilespmem:$0x19640] =	vst v63  }
0x3b: {  	_ =	swait.ge [sflag:s6], $0x320  }
0x3c: {  	[sflag:s6] =	ssyncset.done $0x0  }
0x3d: {  	[sflag:s6] =	ssyncadd.s32 $0xFFFFFCE0  }
0x3e: {  	[tilespmem:s11], [sflag:$0x2] =	stream.indirect.gather [hbm4b:s3+s7], $0x40, s10, s7, $0xb8;
	[tilespmem:$0x19640] =	vst v63  }
0x3f: {  	s29 =	rddreg [dreg:$0x11]  }
0x40: {  	[tilespmem:s12], [sflag:$0x2] =	stream.indirect.gather [hbm4b:s3+s9], $0x40, s29, s9, $0xb8;
	[tilespmem:$0x19640] =	vst v63  }
0x41: {  	_ = 	snop  }
0x42: {  	[tilespmem:s14], [sflag:$0x2] =	stream.indirect.gather [hbm4b:s3+s7], $0x40, s13, s7, $0xb8;
	[tilespmem:$0x19640] =	vst v63  }
0x43: {  	_ = 	snop  }
0x44: {  	[tilespmem:s16], [sflag:$0x2] =	stream.indirect.gather [hbm4b:s3+s9], $0x40, s15, s9, $0xb8;
	[tilespmem:$0x19640] =	vst v63  }
0x45: {  	_ = 	snop  }
0x46: {  	[tilespmem:s18], [sflag:$0x2] =	stream.indirect.gather [hbm4b:s3+s7], $0x40, s17, s7, $0xb8;
	[tilespmem:$0x19640] =	vst v63  }
0x47: {  	_ = 	snop  }
0x48: {  	[tilespmem:s20], [sflag:$0x2] =	stream.indirect.gather [hbm4b:s3+s9], $0x40, s19, s9, $0xb8;
	[tilespmem:$0x19640] =	vst v63  }
0x49: {  	_ = 	snop  }
0x4a: {  	[tilespmem:s22], [sflag:$0x2] =	stream.indirect.gather [hbm4b:s3+s7], $0x40, s21, s7, $0xb8;
	[tilespmem:$0x19640] =	vst v63  }
0x4b: {  	_ = 	snop  }
0x4c: {  	[tilespmem:s24], [sflag:$0x2] =	stream.indirect.gather [hbm4b:s3+s9], $0x40, s23, s9, $0xb8;
	[tilespmem:$0x19640] =	vst v63  }
0x4d: {  	_ =	swait.ge [sflag:s25], $0x2000  }
0x4e: {  	[sflag:s25] =	ssyncset.done $0x0  }
0x4f: {  	[sflag:s25] =	ssyncadd.s32 $0xFFFFE000  }
0x50: {  	_ =	swait.ge [sflag:s25], $0x1200  }
0x51: {  	[sflag:s25] =	ssyncset.done $0x0  }
0x52: {  	[sflag:s25] =	ssyncadd.s32 $0xFFFFEE00  }
0x53: {  	_ =	swait.ge [sflag:s25], $0x2000  }
0x54: {  	[sflag:s25] =	ssyncset.done $0x0  }
0x55: {  	[sflag:s25] =	ssyncadd.s32 $0xFFFFE000  }
0x56: {  	_ =	swait.ge [sflag:s25], $0x1200  }
0x57: {  	[sflag:s25] =	ssyncset.done $0x0  }
0x58: {  	[sflag:s25] =	ssyncadd.s32 $0xFFFFEE00  }
0x59: {  	_ =	swait.ge [sflag:s25], $0x2000  }
0x5a: {  	[sflag:s25] =	ssyncset.done $0x0  }
0x5b: {  	[sflag:s25] =	ssyncadd.s32 $0xFFFFE000  }
0x5c: {  	_ =	swait.ge [sflag:s25], $0x1200  }
0x5d: {  	[sflag:s25] =	ssyncset.done $0x0  }
0x5e: {  	[sflag:s25] =	ssyncadd.s32 $0xFFFFEE00  }
0x5f: {  	_ =	swait.ge [sflag:s25], $0x2000  }
0x60: {  	[sflag:s25] =	ssyncset.done $0x0  }
0x61: {  	[sflag:s25] =	ssyncadd.s32 $0xFFFFE000  }
0x62: {  	_ =	swait.ge [sflag:s25], $0x1200  }
0x63: {  	[sflag:s25] =	ssyncset.done $0x0;
	s31 =	rddreg [dreg:$0x13]  }
0x64: {  	s30 =	sadd.s32 $0xFFFFE700, s31;
	[sflag:s25] =	ssyncadd.s32 $0xFFFFEE00  }
0x65: {  	[hbm4b:s30+s2] =	stream.linear.scatter [tilespmem:s8], [sflag:$0x3], $0xC800, $0x38;
	[tilespmem:$0x19640] =	vst v63  }
0x66: {  	_ =	swait.ge [sflag:s26], $0x2000  }
0x67: {  	[sflag:s26] =	ssyncset.done $0x0  }
0x68: {  	[sflag:s26] =	ssyncadd.s32 $0xFFFFE000  }
0x69: {  	_ =	swait.ge [sflag:s26], $0x1200  }
0x6a: {  	[sflag:s26] =	ssyncset.done $0x0  }
0x6b: {  	[sflag:s26] =	ssyncadd.s32 $0xFFFFEE00  }
0x6c: {  	_ =	swait.ge [sflag:s26], $0x2000  }
0x6d: {  	[sflag:s26] =	ssyncset.done $0x0  }
0x6e: {  	[sflag:s26] =	ssyncadd.s32 $0xFFFFE000  }
0x6f: {  	_ =	swait.ge [sflag:s26], $0x1200  }
0x70: {  	[sflag:s26] =	ssyncset.done $0x0  }
0x71: {  	[sflag:s26] =	ssyncadd.s32 $0xFFFFEE00  }
0x72: {  	_ =	swait.ge [sflag:s26], $0x2000  }
0x73: {  	[sflag:s26] =	ssyncset.done $0x0  }
0x74: {  	[sflag:s26] =	ssyncadd.s32 $0xFFFFE000  }
0x75: {  	_ =	swait.ge [sflag:s26], $0x1200  }
0x76: {  	[sflag:s26] =	ssyncset.done $0x0  }
0x77: {  	[sflag:s26] =	ssyncadd.s32 $0xFFFFEE00  }
0x78: {  	s1 =	simm.s32 $0xC8;
	s5 =	smov.u32 s31;
	_ =	swait.ge [sflag:s26], $0x2000  }
.LBB2_2:
0x79: {  	[sflag:s26] =	ssyncset.done $0x0  }
0x7a: {  	[sflag:s26] =	ssyncadd.s32 $0xFFFFE000  }
0x7b: {  	s4 =	smov.u32 s1;
	_ =	swait.ge [sflag:s26], $0x1200  }
0x7c: {  	p1 =	seq.s32 s4, $0x0;
	[sflag:s26] =	ssyncset.done $0x0  }
0x7d: {  	s28 =	simm.s32 @!p1 $0x3;
	[sflag:s26] =	ssyncadd.s32 $0xFFFFEE00  }
0x7e: {  	[hbm4b:s31+s2] =	stream.linear.scatter [tilespmem:s11], [sflag:$0x4], $0xC800, $0x38;
	[tilespmem:$0x19640] =	vst v63  }
0x7f: {  	_ =	swait.ge @!p1 [sflag:s28], $0xC800  }
0x80: {  	[sflag:s28] =	ssyncset.done @!p1 $0x0;
	s29 =	rddreg [dreg:$0x3]  }
0x81: {  	[sflag:s28] =	ssyncadd.s32 @!p1 $0xFFFF3800;
	s4 =	sadd.s32 s4, s29  }
0x82: {  	[tilespmem:s2], [sflag:$0x5] =	stream.linear.gather [hbm4b:s4+s2], $0x320, $0x38;
	[tilespmem:$0x19640] =	vst v63  }
0x83: {  	_ =	swait.ge [sflag:s6], $0x320  }
0x84: {  	s28 =	rddreg [dreg:$0x10]  }
0x85: {  	s29 =	rddreg [dreg:$0xe]  }
0x86: {  	s0 =	rddreg [dreg:$0xc]  }
0x87: {  	s30 =	rddreg [dreg:$0xa]  }
0x88: {  	[sflag:s6] =	ssyncset.done $0x0;
	s12 =	rddreg [dreg:$0x5]  }
0x89: {  	s13 =	rddreg [dreg:$0x4];
	[sflag:s6] =	ssyncadd.s32 $0xFFFFFCE0  }
0x8a: {  	[tilespmem:s8], [sflag:$0x1] =	stream.indirect.gather [hbm4b:s3+s7], $0x40, s2, s7, $0xb8;
	[tilespmem:$0x19640] =	vst v63  }
0x8b: {  	s14 =	rddreg [dreg:$0x6]  }
0x8c: {  	[tilespmem:s13], [sflag:$0x1] =	stream.indirect.gather [hbm4b:s3+s9], $0x40, s7, s9, $0xb8;
	[tilespmem:$0x19640] =	vst v63  }
0x8d: {  	s15 =	rddreg [dreg:$0x8]  }
0x8e: {  	[tilespmem:s14], [sflag:$0x1] =	stream.indirect.gather [hbm4b:s3+s7], $0x40, s12, s7, $0xb8;
	[tilespmem:$0x19640] =	vst v63  }
0x8f: {  	s13 =	rddreg [dreg:$0x7]  }
0x90: {  	[tilespmem:s15], [sflag:$0x1] =	stream.indirect.gather [hbm4b:s3+s9], $0x40, s13, s9, $0xb8;
	[tilespmem:$0x19640] =	vst v63  }
0x91: {  	s12 =	rddreg [dreg:$0x9]  }
0x92: {  	[tilespmem:s30], [sflag:$0x1] =	stream.indirect.gather [hbm4b:s3+s7], $0x40, s12, s7, $0xb8;
	[tilespmem:$0x19640] =	vst v63  }
0x93: {  	s13 =	rddreg [dreg:$0xb]  }
0x94: {  	[tilespmem:s0], [sflag:$0x1] =	stream.indirect.gather [hbm4b:s3+s9], $0x40, s13, s9, $0xb8;
	[tilespmem:$0x19640] =	vst v63  }
0x95: {  	s12 =	rddreg [dreg:$0xd]  }
0x96: {  	[tilespmem:s29], [sflag:$0x1] =	stream.indirect.gather [hbm4b:s3+s7], $0x40, s12, s7, $0xb8;
	[tilespmem:$0x19640] =	vst v63  }
0x97: {  	s30 =	rddreg [dreg:$0xf];
	s12 =	simm.s32 @!p1 $0x4  }
0x98: {  	[tilespmem:s28], [sflag:$0x1] =	stream.indirect.gather [hbm4b:s3+s9], $0x40, s30, s9, $0xb8;
	[tilespmem:$0x19640] =	vst v63  }
0x99: {  	_ =	swait.ge @!p1 [sflag:s12], $0xC800  }
0x9a: {  	[sflag:s12] =	ssyncset.done @!p1 $0x0  }
0x9b: {  	s28 =	sadd.s32 $0x64, s4;
	[sflag:s12] =	ssyncadd.s32 @!p1 $0xFFFF3800  }
0x9c: {  	[tilespmem:s10], [sflag:$0x5] =	stream.linear.gather [hbm4b:s28+s2], $0x320, $0x38;
	[tilespmem:$0x19640] =	vst v63  }
0x9d: {  	_ =	swait.ge [sflag:s6], $0x320  }
0x9e: {  	[sflag:s6] =	ssyncset.done $0x0  }
0x9f: {  	[sflag:s6] =	ssyncadd.s32 $0xFFFFFCE0  }
0xa0: {  	[tilespmem:s11], [sflag:$0x2] =	stream.indirect.gather [hbm4b:s3+s7], $0x40, s10, s7, $0xb8;
	[tilespmem:$0x19640] =	vst v63  }
0xa1: {  	s12 =	simm.s32 $0xEE40;
	s29 =	rddreg [dreg:$0x11]  }
0xa2: {  	[tilespmem:s12], [sflag:$0x2] =	stream.indirect.gather [hbm4b:s3+s9], $0x40, s29, s9, $0xb8;
	[tilespmem:$0x19640] =	vst v63  }
0xa3: {  	s14 =	simm.s32 $0x10040;
	s13 =	simm.s32 $0x3E8  }
0xa4: {  	[tilespmem:s14], [sflag:$0x2] =	stream.indirect.gather [hbm4b:s3+s7], $0x40, s13, s7, $0xb8;
	[tilespmem:$0x19640] =	vst v63  }
0xa5: {  	s15 =	simm.s32 $0x468  }
0xa6: {  	[tilespmem:s16], [sflag:$0x2] =	stream.indirect.gather [hbm4b:s3+s9], $0x40, s15, s9, $0xb8;
	[tilespmem:$0x19640] =	vst v63  }
0xa7: {  	_ = 	snop  }
0xa8: {  	[tilespmem:s18], [sflag:$0x2] =	stream.indirect.gather [hbm4b:s3+s7], $0x40, s17, s7, $0xb8;
	[tilespmem:$0x19640] =	vst v63  }
0xa9: {  	_ = 	snop  }
0xaa: {  	[tilespmem:s20], [sflag:$0x2] =	stream.indirect.gather [hbm4b:s3+s9], $0x40, s19, s9, $0xb8;
	[tilespmem:$0x19640] =	vst v63  }
0xab: {  	_ = 	snop  }
0xac: {  	[tilespmem:s22], [sflag:$0x2] =	stream.indirect.gather [hbm4b:s3+s7], $0x40, s21, s7, $0xb8;
	[tilespmem:$0x19640] =	vst v63  }
0xad: {  	_ = 	snop  }
0xae: {  	[tilespmem:s24], [sflag:$0x2] =	stream.indirect.gather [hbm4b:s3+s9], $0x40, s23, s9, $0xb8;
	[tilespmem:$0x19640] =	vst v63  }
0xaf: {  	_ =	swait.ge [sflag:s25], $0x2000  }
0xb0: {  	[sflag:s25] =	ssyncset.done $0x0  }
0xb1: {  	[sflag:s25] =	ssyncadd.s32 $0xFFFFE000  }
0xb2: {  	_ =	swait.ge [sflag:s25], $0x1200  }
0xb3: {  	[sflag:s25] =	ssyncset.done $0x0  }
0xb4: {  	[sflag:s25] =	ssyncadd.s32 $0xFFFFEE00  }
0xb5: {  	_ =	swait.ge [sflag:s25], $0x2000  }
0xb6: {  	[sflag:s25] =	ssyncset.done $0x0  }
0xb7: {  	[sflag:s25] =	ssyncadd.s32 $0xFFFFE000  }
0xb8: {  	_ =	swait.ge [sflag:s25], $0x1200  }
0xb9: {  	[sflag:s25] =	ssyncset.done $0x0  }
0xba: {  	[sflag:s25] =	ssyncadd.s32 $0xFFFFEE00  }
0xbb: {  	_ =	swait.ge [sflag:s25], $0x2000  }
0xbc: {  	[sflag:s25] =	ssyncset.done $0x0  }
0xbd: {  	[sflag:s25] =	ssyncadd.s32 $0xFFFFE000  }
0xbe: {  	_ =	swait.ge [sflag:s25], $0x1200  }
0xbf: {  	[sflag:s25] =	ssyncset.done $0x0  }
0xc0: {  	[sflag:s25] =	ssyncadd.s32 $0xFFFFEE00  }
0xc1: {  	_ =	swait.ge [sflag:s25], $0x2000  }
0xc2: {  	[sflag:s25] =	ssyncset.done $0x0  }
0xc3: {  	[sflag:s25] =	ssyncadd.s32 $0xFFFFE000  }
0xc4: {  	_ =	swait.ge [sflag:s25], $0x1200  }
0xc5: {  	s5 =	sadd.s32 $0x3200, s5;
	[sflag:s25] =	ssyncset.done $0x0  }
0xc6: {  	s30 =	sadd.s32 $0xFFFFE700, s5;
	[sflag:s25] =	ssyncadd.s32 $0xFFFFEE00  }
0xc7: {  	[hbm4b:s30+s2] =	stream.linear.scatter [tilespmem:s8], [sflag:$0x3], $0xC800, $0x38;
	[tilespmem:$0x19640] =	vst v63  }
0xc8: {  	_ =	swait.ge [sflag:s26], $0x2000  }
0xc9: {  	[sflag:s26] =	ssyncset.done $0x0  }
0xca: {  	[sflag:s26] =	ssyncadd.s32 $0xFFFFE000  }
0xcb: {  	_ =	swait.ge [sflag:s26], $0x1200  }
0xcc: {  	[sflag:s26] =	ssyncset.done $0x0  }
0xcd: {  	[sflag:s26] =	ssyncadd.s32 $0xFFFFEE00  }
0xce: {  	_ =	swait.ge [sflag:s26], $0x2000  }
0xcf: {  	[sflag:s26] =	ssyncset.done $0x0  }
0xd0: {  	[sflag:s26] =	ssyncadd.s32 $0xFFFFE000  }
0xd1: {  	_ =	swait.ge [sflag:s26], $0x1200  }
0xd2: {  	[sflag:s26] =	ssyncset.done $0x0  }
0xd3: {  	[sflag:s26] =	ssyncadd.s32 $0xFFFFEE00  }
0xd4: {  	s1 =	sadd.s32 $0xC8, s1;
	_ =	swait.ge [sflag:s26], $0x2000  }
0xd5: {  	p0 =	sne.s32 s1, $0xC80;
	[sflag:s26] =	ssyncset.done $0x0  }
.Ltmp0:
0xd6: {  	[sflag:s26] =	ssyncadd.s32 $0xFFFFE000;
	(pc) =	sbr.rel @p0 .LBB2_2-.Ltmp0, $4  }
0xd7: {  	_ =	swait.ge [sflag:s26], $0x1200  }
0xd8: {  	[sflag:s26] =	ssyncset.done $0x0  }
0xd9: {  	[sflag:s26] =	ssyncadd.s32 $0xFFFFEE00  }
0xda: {  	s31 =	smov.u32 s5;
	_ =	swait.ge [sflag:s26], $0x2000  }
0xdb: {  	[sflag:s26] =	ssyncset.done $0x0  }
0xdc: {  	[sflag:s26] =	ssyncadd.s32 $0xFFFFE000  }
0xdd: {  	_ =	swait.ge [sflag:s26], $0x1200  }
0xde: {  	[sflag:s26] =	ssyncset.done $0x0  }
0xdf: {  	s0 =	simm.s32 $0x3;
	[sflag:s26] =	ssyncadd.s32 $0xFFFFEE00  }
0xe0: {  	[hbm4b:s31+s2] =	stream.linear.scatter [tilespmem:s11], [sflag:$0x4], $0xC800, $0x38;
	[tilespmem:$0x19640] =	vst v63  }
0xe1: {  	_ =	swait.ge [sflag:s0], $0xC800  }
0xe2: {  	[sflag:s0] =	ssyncset.done $0x0  }
0xe3: {  	s1 =	simm.s32 $0x4;
	[sflag:s0] =	ssyncadd.s32 $0xFFFF3800  }
0xe4: {  	_ =	swait.ge [sflag:s1], $0xC800  }
0xe5: {  	s4 =	rddreg [dreg:$0x14]  }
0xe6: {  	s31 =	rddreg [dreg:$0x12];
	s4 =	sadd.s32 $0x1, s4  }
0xe7: {  	p0 =	sne.s32 s4, s31  }
.Ltmp1:
0xe8: {  	_ = 	snop;
	(pc) =	sbr.rel @p0 .LBB2_1-.Ltmp1, $3  }
0xe9: {  	_ =	sdelay $0x1  }
0xea: {  	[sflag:s1] =	ssyncset.done $0x0  }
0xeb: {  	[sflag:s1] =	ssyncadd.s32 $0xFFFF3800  }
0xec: {  	_ =	sfence.sel $0x180000  }
0xed: {  	[bflag:$0x0] =	sbarrier.arrive $0xFFFF  }
0xee: {  	_ =	strace $0x90000047  }
0xef: {  	s0 =	stileid.u32;
	[bflag:$0x2] =	sbarrier.arrive $0xFFFF  }
0xf0: {  	p0 =	sne.s32 s0, $0x0;
	s0 =	rddreg [dreg:$0x2]  }
0xf1: {  	s0 =	sadd.s32 @!p0 $0x100000, s0  }
0xf2: {  	[sflag:s0] =	ssyncadd.tile.s32 @!p0 $0x1;
	_ =	shalt  }
.Lfunc_end2:
_tile_overlayer_lowered:
.L_overlay_start_2:
0xf3: {  	(tag) =	ssettag $0x2  }
0xf4: {  	s0 =	rddreg [dreg:$0x0];
	s2 =	stileid.u32  }
0xf5: {  	s1 =	rddreg [dreg:$0x1];
	p0 =	sne.s32 s2, $0x0  }
0xf6: {  	s3 =	rddreg [dreg:$0x2];
	[bflag:$0x3] =	sbarrier.arrive $0xFFFF;
	s2 =	simm.s32 @!p0 $0x1C05  }
0xf7: {  	[timem:s3], [sflag:s2] =	dma.local @!p0 [hbm:s0], s1  }
0xf8: {  	s0 =	simm.s32 @!p0 $0x5  }
0xf9: {  	_ =	swait.ge @!p0 [sflag:s0], s1  }
0xfa: {  	s1 =	ssub.s32 @!p0 $0x0, s1;
	[sflag:s0] =	ssyncset.done @!p0 $0x0  }
0xfb: {  	[sflag:s0] =	ssyncadd.s32 @!p0 s1  }
0xfc: {  	[bflag:$0x3] =	sbarrier.arrive $0xFFFF  }
0xfd: {  	_ =	shalt  }

// kernel: sparse-core-data-format-call.cloned.1.call-start
scs
called_computation_lowered:
.L_overlay_start_0:
0x0: {  	s2 =	sld [smem:$0x3FD9]  }
0x1: {  	s3 =	sld [smem:$0x3FFE];
	_ =	sdelay $0x1  }
0x2: {  	s1 =	srdreg.scid  }
0x3: {  	s0 =	sand.u32 $0x1, s1  }
0x4: {  	s18 =	sshll.u32 s0, $0xA;
	s2 =	sadd.s32 s3, s2  }
0x5: {  	s2 =	sadd.s32 s2, s18  }
0x6: {  	[smem:$0x3FC6] =	sst s2  }
0x7: {  	_ = 	snop  }
0x8: {  	s2 =	sld [smem:$0x3FD0];
	(tm) =	ssettm $0x1  }
0x9: {  	s19 =	sld [smem:$0x3FFB];
	_ =	sdelay $0x3  }
0xa: {  	_ =	strace s19  }
0xb: {  	s3 =	sld [smem:$0x3FFC];
	_ =	sdelay $0x3  }
0xc: {  	_ =	strace s3  }
0xd: {  	s3 =	sld [smem:$0x3FFD];
	_ =	sdelay $0x3  }
0xe: {  	_ =	strace s3  }
0xf: {  	_ =	strace $0x8FFFFFFF  }
0x10: {  	s20 =	sld [smem:$0x3FDB];
	_ =	sdelay $0x1  }
0x11: {  	s4 =	simm.s32 $_scs_section_size  }
0x12: {  	s5 =	simm.s32 $_size__tile_overlayer_lowered;
	s6 =	simm.s32 $_tile_overlayer_lowered  }
0x13: {  	s23 =	simm.s32 $0x1BFF;
	s22 =	sshll.u32 s6, $0x1;
	s3 =	sadd.s32 s4, s20  }
0x14: {  	s7 =	simm.s32 $0x0;
	s21 =	sshll.u32 s5, $0x1;
	s5 =	sadd.s32 s22, s3  }
0x15: {  	[timem:s7], [sflag:s23] =	dma.local [hbm:s5], s21  }
0x16: {  	_ =	swait.ge [sflag:s23], s21  }
0x17: {  	s4 =	ssub.s32 $0x0, s21;
	[sflag:s23] =	ssyncset.done $0x0  }
0x18: {  	[sflag:s23] =	ssyncadd.s32 s4;
	_ =	sdelay $0x1  }
0x19: {  	s24 =	simm.s32 $0x1B8B  }
0x1a: {  	_ =	swait.ge [sflag:s24], $0x1  }
0x1b: {  	[sflag:s24] =	ssyncset.done $0x0  }
0x1c: {  	s26 =	simm.s32 $0x1B8E;
	s25 =	sld [smem:$0x3FFE];
	[sflag:s24] =	ssyncadd.s32 $0xFFFFFFFF  }
0x1d: {  	s27 =	simm.s32 $execute0_lowered;
	[smem:$0x3FD2] =	sst s26  }
0x1e: {  	s5 =	sshll.u32 s27, $0x1;
	_ =	strace $0x80000049;
	[dreg:$0x1] =	wrdreg $0xFFFFFFFF  }
0x1f: {  	s28 =	simm.s32 $_size_execute0_lowered;
	s3 =	sadd.s32 s3, s5;
	[dreg:$0x0] =	wrdreg $0x0  }
0x20: {  	s5 =	sshll.u32 s28, $0x1;
	[dreg:$0x2] =	wrdreg s3  }
0x21: {  	[dreg:$0x3] =	wrdreg s5  }
0x22: {  	[dreg:$0x4] =	wrdreg $0xC0  }
0x23: {  	_ =	task [dreg:s7], $0x5FFFF  }
0x24: {  	[dreg:$0x1] =	wrdreg $0xFFFFFFFF  }
0x25: {  	[dreg:$0x0] =	wrdreg $0x60  }
0x26: {  	[dreg:$0x2] =	wrdreg s25  }
0x27: {  	[dreg:$0x3] =	wrdreg s2  }
0x28: {  	[dreg:$0x4] =	wrdreg $0x9  }
0x29: {  	_ =	task.clear_ibuf [dreg:s7], $0x5FFFF;
	_ =	strace $0x90000049  }
0x2a: {  	s29 =	simm.s32 $0x9;
	_ =	strace $0x8000004B  }
0x2b: {  	_ =	swait.ge [sflag:s29], $0x1  }
0x2c: {  	[sflag:s29] =	ssyncadd.s32 $0xFFFFFFFF  }
0x2d: {  	_ =	strace $0x9000004B  }
0x2e: {  	_ =	sfence  }
0x2f: {  	s30 =	sld [smem:$0x0];
	_ =	sdelay $0x2  }
0x30: {  	s31 =	sshll.u32 s1, $0xD;
	s1 =	sshrl.u32 s1, $0x2  }
0x31: {  	s3 =	sand.u32 $0x4000, s31;
	s1 =	sadd.s32 s1, s30  }
0x32: {  	s0 =	sor.u32 s3, s0;
	s1 =	sshll.u32 s1, $0x11  }
0x33: {  	s0 =	sor.u32 s1, s0  }
0x34: {  	s0 =	sadd.s32 $0x8F2B, s0  }
0x35: {  	[sflag:s0] =	ssyncadd.remote.s32 $0x1  }
0x36: {  	_ =	sfence.sel $0xFFFF  }
0x37: {  	[dreg:$0x0] =	wrdreg $0xFFFFFFFF;
	(pc) =	sbr.abs _section_cstart, $3  }
0x38: {  	[dreg:$0x1] =	wrdreg $0xFFFFFFFF  }
0x39: {  	_ =	task.clear_ibuf [dreg:s7], $0x2FFFF;
	_ =	strace $0x9FFFFFFF  }
0x3a: {  	(tm) =	ssettm $0x7FFFFFFF  }
0x3b: {  	_ =	shalt  }
tec
execute0_lowered:
.L_overlay_start_1:
0x0: {  	(tag) =	ssettag $0x1  }
0x1: {  	s0 =	srdreg.scid  }
0x2: {  	s1 =	sshll.u32 s0, $0x4  }
0x3: {  	s0 =	stileid.u32;
	s1 =	sand.u32 $0x10, s1  }
0x4: {  	s1 =	sor.u32 s0, s1  }
0x5: {  	s6 =	rddreg [dreg:$0x0];
	s4 =	simm.s32 $0x1;
	s2 =	sshll.u32 s1, $0x7  }
0x6: {  	s7 =	simm.s32 $0x2;
	s12 =	simm.s32 $0x0;
	s1 =	ssub.s32 $0x1000, s2  }
0x7: {  	s8 =	simm.s32 $0x8000;
	s13 =	simm.s32 $0x0;
	s3 =	sand.u32 $0xF80, s1  }
0x8: {  	s9 =	simm.s32 $0x0;
	s5 =	sshrl.u32 s1, $0xC;
	p0 =	sne.s32 s3, $0x0  }
.Ltmp0:
0x9: {  	s1 =	rddreg [dreg:$0x2];
	s4 =	simm.s32 @!p0 $0x0;
	(pc) =	sbr.rel .LBB1_1-.Ltmp0, $4  }
0xa: {  	s11 =	simm.s32 $0x0;
	s3 =	rddreg [dreg:$0x1];
	s5 =	sadd.s32 s4, s5  }
0xb: {  	_ =	strace $0x8000004A;
	s4 =	simm.s32 $0x1;
	s5 =	smul.u32 $0xC8, s5  }
0xc: {  	s6 =	sadd.s32 $0xA00, s6;
	s10 =	smov.u32 s2;
	[sflag:s4] =	ssyncpa.u1 $0x0  }
0xd: {  	p0 =	por $0x0, $0x0;
	[sflag:s7] =	ssyncpa.u1 $0x0;
	s7 =	sor.u32 $0x1, s5  }
.LBB1_4:
0xe: {  	s16 =	sshll.u32 s13, $0x3;
	s17 =	sand.u32 $0x78, s13  }
0xf: {  	s30 =	sand.u32 $0x7E00, s13;
	s12 =	sshll.u32 s12, $0xF;
	s16 =	sand.u32 $0xC00, s16  }
0x10: {  	[tilespmem:s15+$0x810 ss:$0x81] =	vst.msk $0xffff, v2;
	s31 =	sand.u32 $0x7, s13;
	s16 =	sor.u32 s17, s16;
	s17 =	sadd.s32 s3, s30  }
0x11: {  	[tilespmem:s15+$0x1020 ss:$0x81] =	vst.msk $0xffff, v0;
	s13 =	sshll.u32 s31, $0x12;
	s12 =	sadd.s32 s12, s17;
	s16 =	sshrl.u32 s16, $0x3  }
0x12: {  	[tilespmem:s15+$0x0 ss:$0x81] =	vst.msk $0xffff, v1;
	s13 =	sor.u32 $0x400, s13;
	s12 =	sadd.s32 s16, s12  }
0x13: {  	[hbm4b:s12+s13] =	stream.strided.scatter [tilespmem:s14], [sflag:$0x2], $0x2000, s8, s13, $0x20;
	[tilespmem:$0x8080] =	vst v63  }
.LBB1_5:
0x14: {  	s14 =	sadd.s32 $0x1, s9  }
0x15: {  	s12 =	sadd.s32 $0x1000, s10;
	s16 =	smov.u32 s10;
	p2 =	sgt.s32 s14, $0xC7  }
0x16: {  	s16 =	smov.u32 @p2 s12  }
0x17: {  	s14 =	simm.s32 @p2 $0x0;
	p2 =	sgt.s32 s16, $0xFFF  }
0x18: {  	s16 =	smov.u32 @p2 s2;
	p2 =	sne.s32 s11, s7  }
.Ltmp1:
0x19: {  	p1 =	slt.u32 s11, $0x2;
	(pc) =	sbr.rel @!p2 .LBB1_6-.Ltmp1, $4  }
0x1a: {  	s15 =	simm.s32 @!p1 $0x2  }
0x1b: {  	s13 =	smov.u32 s10;
	p0 =	por !p0, !p0;
	_ =	swait.ge @!p1 [sflag:s15], $0x2000  }
0x1c: {  	s12 =	smov.u32 s9;
	[sflag:s15] =	ssyncset.done @!p1 $0x0;
	s9 =	smov.u32 s14  }
0x1d: {  	s11 =	sadd.s32 $0x1, s11;
	[sflag:s15] =	ssyncadd.s32 @!p1 $0xFFFFE000;
	s10 =	smov.u32 s16  }
.LBB1_1:
0x1e: {  	p1 =	sge.u32 s11, s5  }
0x1f: {  	s14 =	sand.u32 @!p1 $0x1FFFFFF, s9  }
0x20: {  	s15 =	smulhi.u32 @!p1 $0x147AE15, s14;
	_ =	sdelay $0x1  }
0x21: {  	s15 =	smul.u32 @!p1 $0xC8, s15  }
0x22: {  	s16 =	sxor.u32 @!p1 $0xFFFFFFFF, s11;
	s17 =	smul.u32 @!p1 $0xC80, s10  }
0x23: {  	s31 =	sadd.s32 $0xFFFFFFFF, s11;
	s16 =	sshll.u32 @!p1 s16, $0xD;
	s14 =	ssub.s32 @!p1 s14, s15  }
0x24: {  	s15 =	sand.u32 @!p1 $0x2000, s16;
	s16 =	sadd.s32 @!p1 s6, s17;
	s14 =	sshll.u32 @!p1 s14, $0x4  }
0x25: {  	s17 =	simm.s32 @!p1 $0x6400;
	s14 =	sadd.s32 @!p1 s14, s16;
	s16 =	simm.s32 @!p1 $0x40  }
0x26: {  	[tilespmem:s15], [sflag:$0x1] =	stream.strided.gather @!p1 [hbm4b:s14+s16], $0x2000, s17, s16, $0x38;
	[tilespmem:$0x8080] =	vst v63  }
0x27: {  	p1 =	sge.u32 s31, s5  }
.Ltmp2:
0x28: {  	_ = 	snop;
	(pc) =	sbr.rel @p1 .LBB1_5-.Ltmp2, $1  }
0x29: {  	_ =	sdelay $0x3  }
0x2a: {  	s14 =	simm.s32 $0x1  }
0x2b: {  	_ =	swait.ge [sflag:s4], $0x2000;
	s14 =	simm.s32 @!p0 $0x0  }
0x2c: {  	[sflag:s4] =	ssyncset.done $0x0;
	s15 =	sshll.u32 s14, $0xD  }
0x2d: {  	[sflag:s4] =	ssyncadd.s32 $0xFFFFE000;
	s18 =	sor.u32 $0x20, s15  }
0x2e: {  	s14 =	smul.u32 $0x8100, s14;
	v3 =	vld [tilespmem:s18+$0x10]  }
0x2f: {  	s30 =	sand.u32 $0x1, s11;
	v2 =	vld [tilespmem:s18+$0xFFFFFFF0]  }
0x30: {  	s15 =	smul.u32 $0x8100, s30;
	s14 =	sshrl.u32 s14, $0x2;
	v0 =	vld [tilespmem:s18+$0x0]  }
0x31: {  	v1 =	vld [tilespmem:s18+$0xFFFFFFE0];
	s16 =	sor.u32 $0x4000, s14  }
0x32: {  	s31 =	sshrl.u32 s15, $0x2;
	s15 =	sadd.s32 $0x0, s16  }
0x33: {  	s17 =	simm.s32 $0x4;
	s18 =	sadd.s32 $0x40, s18;
	s14 =	sor.u32 $0x4000, s31;
	[tilespmem:s15+$0x1830 ss:$0x81] =	vst.msk $0xffff, v3  }
.LBB1_3:
0x34: {  	v3 =	vld [tilespmem:s18+$0x10];
	p1 =	sne.s32 s17, $0x1FC;
	[tilespmem:s15+$0x810 ss:$0x81] =	vst.msk $0xffff, v2;
	s19 =	smov.u32 s17;
	s17 =	sadd.s32 $0x4, s17  }
.Ltmp3:
0x35: {  	v2 =	vld [tilespmem:s18+$0xFFFFFFF0];
	[tilespmem:s15+$0x1020 ss:$0x81] =	vst.msk $0xffff, v0;
	(pc) =	sbr.rel @p1 .LBB1_3-.Ltmp3, $4  }
0x36: {  	v0 =	vld [tilespmem:s18+$0x0];
	[tilespmem:s15+$0x0 ss:$0x81] =	vst.msk $0xffff, v1  }
0x37: {  	s15 =	sshra.s32 s19, $0x2;
	v1 =	vld [tilespmem:s18+$0xFFFFFFE0]  }
0x38: {  	s15 =	sadd.s32 s15, s16  }
0x39: {  	s18 =	sadd.s32 $0x40, s18;
	[tilespmem:s15+$0x1830 ss:$0x81] =	vst.msk $0xffff, v3  }
.Ltmp4:
0x3a: {  	_ = 	snop;
	(pc) =	sbr.rel .LBB1_4-.Ltmp4, $1  }
0x3b: {  	_ =	sdelay $0x3  }
.LBB1_6:
0x3c: {  	_ =	sfence.sel $0x180000  }
0x3d: {  	s2 =	simm.s32 $0x1;
	[bflag:$0x0] =	sbarrier.arrive $0xFFFF  }
0x3e: {  	s31 =	simm.s32 $0x2;
	[sflag:s2] =	ssyncpa.u1 $0x1  }
0x3f: {  	[sflag:s31] =	ssyncpa.u1 $0x1  }
0x40: {  	p0 =	sne.s32 s0, $0x0;
	_ =	strace $0x9000004A  }
0x41: {  	s0 =	sadd.s32 @!p0 $0x100000, s1;
	[bflag:$0x2] =	sbarrier.arrive $0xFFFF  }
0x42: {  	[sflag:s0] =	ssyncadd.tile.s32 @!p0 $0x1;
	_ =	shalt  }
.Lfunc_end1:
_tile_overlayer_lowered:
.L_overlay_start_2:
0x43: {  	(tag) =	ssettag $0x2  }
0x44: {  	s0 =	rddreg [dreg:$0x0];
	s2 =	stileid.u32  }
0x45: {  	s1 =	rddreg [dreg:$0x1];
	p0 =	sne.s32 s2, $0x0  }
0x46: {  	s3 =	rddreg [dreg:$0x2];
	[bflag:$0x3] =	sbarrier.arrive $0xFFFF;
	s2 =	simm.s32 @!p0 $0x1C01  }
0x47: {  	[timem:s3], [sflag:s2] =	dma.local @!p0 [hbm:s0], s1  }
0x48: {  	s0 =	simm.s32 @!p0 $0x1  }
0x49: {  	_ =	swait.ge @!p0 [sflag:s0], s1  }
0x4a: {  	s1 =	ssub.s32 @!p0 $0x0, s1;
	[sflag:s0] =	ssyncset.done @!p0 $0x0  }
0x4b: {  	[sflag:s0] =	ssyncadd.s32 @!p0 s1  }
0x4c: {  	[bflag:$0x3] =	sbarrier.arrive $0xFFFF  }
0x4d: {  	_ =	shalt  }

</sc_bundles>
